<compile_context>
chip_gen: v7x
topology: tpu7x:2x2x1
jax: 0.10.2.dev20260603
libtpu: 0.0.44.dev20260713+nightly
codegen_flags: <defaults>
</compile_context>

<pallas_src>
import functools

import jax
import jax.numpy as jnp
from jax import lax
from jax.experimental import pallas as pl
from jax.experimental.pallas import tpu as pltpu
from jax.experimental.pallas import tpu_sc as plsc

N = 10000
E = 160000
D_IN = 256
D_H = 64
D_OUT = 256

NC = 2
NS = 16
NW = NC * NS
E_PER_W = E // NW
CH = 128
NFULL = E_PER_W // CH
TAIL_E = E_PER_W - NFULL * CH
NPAIR = (NFULL - 1) // 2
SPAN = 640
LAST_SPAN = N - (NS - 1) * SPAN

R = 2000
G = N // R



def _lin0_body(x_ref, w_ref, b_ref, o_ref):
    o = jnp.dot(x_ref[...], w_ref[...], preferred_element_type=jnp.float32)
    o_ref[...] = jnp.maximum(o + b_ref[...], 0.0)


def _tc_lin0(x, w, b):
    return pl.pallas_call(
        _lin0_body,
        grid=(G,),
        in_specs=[
            pl.BlockSpec((R, D_IN), lambda i: (i, 0)),
            pl.BlockSpec((D_IN, D_H), lambda i: (0, 0)),
            pl.BlockSpec((1, D_H), lambda i: (0, 0)),
        ],
        out_specs=pl.BlockSpec((R, D_H), lambda i: (i, 0)),
        out_shape=jax.ShapeDtypeStruct((N, D_H), jnp.float32),
    )(x, w, b)


def _conv_body(acc_ref, degt_ref, h_ref, wn_ref, wr_ref, b_ref, o_ref):
    d = degt_ref[...]
    ds = d[:, 0:1] + d[:, 1:2]
    inv = 1.0 / jnp.maximum(ds, 1.0)
    mean = (acc_ref[0, :, :] + acc_ref[1, :, :]) * inv
    o = (jnp.dot(mean, wn_ref[...], preferred_element_type=jnp.float32)
         + jnp.dot(h_ref[...], wr_ref[...], preferred_element_type=jnp.float32))
    o_ref[...] = jnp.maximum(o + b_ref[...], 0.0)


def _tc_conv(acc, degt, h, wn, wr, b):
    return pl.pallas_call(
        _conv_body,
        grid=(G,),
        in_specs=[
            pl.BlockSpec((2, R, D_H), lambda i: (0, i, 0)),
            pl.BlockSpec((R, 2), lambda i: (i, 0)),
            pl.BlockSpec((R, D_H), lambda i: (i, 0)),
            pl.BlockSpec((D_H, D_H), lambda i: (0, 0)),
            pl.BlockSpec((D_H, D_H), lambda i: (0, 0)),
            pl.BlockSpec((1, D_H), lambda i: (0, 0)),
        ],
        out_specs=pl.BlockSpec((R, D_H), lambda i: (i, 0)),
        out_shape=jax.ShapeDtypeStruct((N, D_H), jnp.float32),
    )(acc, degt, h, wn, wr, b)


def _final_body(acc_ref, degt_ref, x1_ref, wn_ref, wr_ref, b_ref,
                lw_ref, lb_ref, o_ref):
    d = degt_ref[...]
    ds = d[:, 0:1] + d[:, 1:2]
    inv = 1.0 / jnp.maximum(ds, 1.0)
    mean = (acc_ref[0, :, :] + acc_ref[1, :, :]) * inv
    x2 = (jnp.dot(mean, wn_ref[...], preferred_element_type=jnp.float32)
          + jnp.dot(x1_ref[...], wr_ref[...], preferred_element_type=jnp.float32))
    x2 = jnp.maximum(x2 + b_ref[...], 0.0)
    o = jnp.dot(x2, lw_ref[...], preferred_element_type=jnp.float32) + lb_ref[...]
    m = jnp.max(o, axis=1, keepdims=True)
    sh = o - m
    lse = jnp.log(jnp.sum(jnp.exp(sh), axis=1, keepdims=True))
    o_ref[...] = sh - lse


def _tc_final(acc, degt, x1, wn, wr, b, lw, lb):
    return pl.pallas_call(
        _final_body,
        grid=(G,),
        in_specs=[
            pl.BlockSpec((2, R, D_H), lambda i: (0, i, 0)),
            pl.BlockSpec((R, 2), lambda i: (i, 0)),
            pl.BlockSpec((R, D_H), lambda i: (i, 0)),
            pl.BlockSpec((D_H, D_H), lambda i: (0, 0)),
            pl.BlockSpec((D_H, D_H), lambda i: (0, 0)),
            pl.BlockSpec((1, D_H), lambda i: (0, 0)),
            pl.BlockSpec((D_H, D_OUT), lambda i: (0, 0)),
            pl.BlockSpec((1, D_OUT), lambda i: (0, 0)),
        ],
        out_specs=pl.BlockSpec((R, D_OUT), lambda i: (i, 0)),
        out_shape=jax.ShapeDtypeStruct((N, D_OUT), jnp.float32),
    )(acc, degt, x1, wn, wr, b, lw, lb)



def _spans(sid, fn640, fn400):

    @pl.when(sid < NS - 1)
    def _():
        fn640(pl.multiple_of(sid * SPAN, 8))

    @pl.when(sid == NS - 1)
    def _():
        fn400()


def _stage_between(src, dst, stage, src_off, dst_off, length):
    pltpu.sync_copy(src.at[pl.ds(src_off, length)], stage.at[pl.ds(0, length)])
    pltpu.sync_copy(stage.at[pl.ds(0, length)], dst.at[pl.ds(dst_off, length)])


def _edge_loop(table, idx_s, idx_d, rows, gsems, ssems, acc_sh, deg=None):

    def cref(ref, c, ln=CH):
        return ref.at[pl.ds(pl.multiple_of(c * CH, 8), ln)]

    def gather(c, k):
        pltpu.async_copy(table.at[cref(idx_s, c)], rows[k], gsems[k])

    def gwait(k):
        pltpu.make_async_copy(table.at[cref(idx_s, 0)], rows[k],
                              gsems[k]).wait()

    def swait(k):
        pltpu.make_async_copy(table.at[cref(idx_s, 0)], rows[k],
                              ssems[k]).wait()

    def scat(c, k):
        pltpu.async_copy(rows[k], acc_sh.at[cref(idx_d, c)], ssems[k],
                         add=True)
        if deg is not None:
            ones_v, deg_sh = deg
            pltpu.sync_copy(ones_v, deg_sh.at[cref(idx_d, c)], add=True)

    gather(0, 0)
    gather(1, 1)

    def step(i, carry):
        gwait(0)
        scat(2 * i, 0)

        @pl.when(i < NPAIR - 1)
        def _():
            swait(0)
            gather(2 * i + 2, 0)

        gwait(1)
        scat(2 * i + 1, 1)

        @pl.when(i < NPAIR - 1)
        def _():
            swait(1)
            gather(2 * i + 3, 1)

        return carry

    lax.fori_loop(0, NPAIR, step, 0)
    swait(0)
    swait(1)
    gather(NFULL - 1, 0)
    t0 = NFULL * CH
    pltpu.async_copy(table.at[idx_s.at[pl.ds(t0, TAIL_E)]],
                     rows[1].at[pl.ds(0, TAIL_E)], gsems[1])
    gwait(0)
    scat(NFULL - 1, 0)
    pltpu.make_async_copy(table.at[idx_s.at[pl.ds(t0, TAIL_E)]],
                          rows[1].at[pl.ds(0, TAIL_E)], gsems[1]).wait()
    pltpu.async_copy(rows[1].at[pl.ds(0, TAIL_E)],
                     acc_sh.at[idx_d.at[pl.ds(t0, TAIL_E)]], ssems[1],
                     add=True)
    if deg is not None:
        ones_v, deg_sh = deg
        pltpu.sync_copy(ones_v.at[pl.ds(0, TAIL_E)],
                        deg_sh.at[idx_d.at[pl.ds(t0, TAIL_E)]], add=True)
    swait(0)
    pltpu.make_async_copy(table.at[idx_s.at[pl.ds(t0, TAIL_E)]],
                          rows[1].at[pl.ds(0, TAIL_E)], ssems[1]).wait()


def _sc_body_deg(table, edges, z64, zdeg, ones_in,
                 acc_out, deg_out,
                 idx_s, idx_d, r0b, r1b, ones_v, stage1,
                 g0, g1, s0, s1,
                 acc_sh, deg_sh):
    cid = lax.axis_index("c")
    sid = lax.axis_index("s")
    wid = cid * NS + sid
    pltpu.sync_copy(zdeg, stage1)
    _spans(sid,
           lambda r0: pltpu.sync_copy(z64, acc_sh.at[pl.ds(r0, SPAN)]),
           lambda: pltpu.sync_copy(z64.at[pl.ds(0, LAST_SPAN)],
                                   acc_sh.at[pl.ds((NS - 1) * SPAN, LAST_SPAN)]))
    _spans(sid,
           lambda r0: pltpu.sync_copy(stage1, deg_sh.at[pl.ds(r0, SPAN)]),
           lambda: pltpu.sync_copy(stage1.at[pl.ds(0, LAST_SPAN)],
                                   deg_sh.at[pl.ds((NS - 1) * SPAN, LAST_SPAN)]))
    ebase = pl.multiple_of(wid * E_PER_W, 8)
    pltpu.sync_copy(edges.at[0].at[pl.ds(ebase, E_PER_W)], idx_s)
    pltpu.sync_copy(edges.at[1].at[pl.ds(ebase, E_PER_W)], idx_d)
    pltpu.sync_copy(ones_in, ones_v)
    plsc.subcore_barrier()
    _edge_loop(table, idx_s, idx_d, (r0b, r1b),
               (g0, g1), (s0, s1), acc_sh,
               deg=(ones_v, deg_sh))
    plsc.subcore_barrier()
    dflat = pl.multiple_of(cid * N, 8)
    _spans(sid,
           lambda r0: (pltpu.sync_copy(acc_sh.at[pl.ds(r0, SPAN)],
                                       acc_out.at[cid].at[pl.ds(r0, SPAN)]),
                       _stage_between(deg_sh, deg_out, stage1, r0, dflat + r0, SPAN)),
           lambda: (pltpu.sync_copy(
                        acc_sh.at[pl.ds((NS - 1) * SPAN, LAST_SPAN)],
                        acc_out.at[cid].at[pl.ds((NS - 1) * SPAN, LAST_SPAN)]),
                    _stage_between(deg_sh, deg_out, stage1,
                                   (NS - 1) * SPAN, dflat + (NS - 1) * SPAN,
                                   LAST_SPAN)))


def _sc_body(table, edges, z64,
             acc_out,
             idx_s, idx_d, r0b, r1b,
             g0, g1, s0, s1, acc_sh):
    cid = lax.axis_index("c")
    sid = lax.axis_index("s")
    wid = cid * NS + sid
    _spans(sid,
           lambda r0: pltpu.sync_copy(z64, acc_sh.at[pl.ds(r0, SPAN)]),
           lambda: pltpu.sync_copy(z64.at[pl.ds(0, LAST_SPAN)],
                                   acc_sh.at[pl.ds((NS - 1) * SPAN, LAST_SPAN)]))
    ebase = pl.multiple_of(wid * E_PER_W, 8)
    pltpu.sync_copy(edges.at[0].at[pl.ds(ebase, E_PER_W)], idx_s)
    pltpu.sync_copy(edges.at[1].at[pl.ds(ebase, E_PER_W)], idx_d)
    plsc.subcore_barrier()
    _edge_loop(table, idx_s, idx_d, (r0b, r1b),
               (g0, g1), (s0, s1), acc_sh)
    plsc.subcore_barrier()
    _spans(sid,
           lambda r0: pltpu.sync_copy(acc_sh.at[pl.ds(r0, SPAN)],
                                      acc_out.at[cid].at[pl.ds(r0, SPAN)]),
           lambda: pltpu.sync_copy(
               acc_sh.at[pl.ds((NS - 1) * SPAN, LAST_SPAN)],
               acc_out.at[cid].at[pl.ds((NS - 1) * SPAN, LAST_SPAN)]))


@functools.lru_cache(maxsize=1)
def _sc_kernels():
    mesh = plsc.VectorSubcoreMesh(core_axis_name="c", subcore_axis_name="s",
                                  num_cores=NC, num_subcores=NS)
    params = pltpu.CompilerParams(use_tc_tiling_on_sc=False)
    segsum_deg = pl.kernel(
        _sc_body_deg,
        out_type=[jax.ShapeDtypeStruct((NC, N, D_H), jnp.float32),
                  jax.ShapeDtypeStruct((NC * N,), jnp.float32)],
        mesh=mesh,
        compiler_params=params,
        scratch_types=(
            [pltpu.VMEM((E_PER_W,), jnp.int32),
             pltpu.VMEM((E_PER_W,), jnp.int32)]
            + [pltpu.VMEM((CH, D_H), jnp.float32)] * 2
            + [pltpu.VMEM((CH,), jnp.float32),
               pltpu.VMEM((SPAN,), jnp.float32)]
            + [pltpu.SemaphoreType.DMA] * 4
            + [pltpu.VMEM_SHARED((N, D_H), jnp.float32),
               pltpu.VMEM_SHARED((N,), jnp.float32)]
        ),
    )
    segsum = pl.kernel(
        _sc_body,
        out_type=jax.ShapeDtypeStruct((NC, N, D_H), jnp.float32),
        mesh=mesh,
        compiler_params=params,
        scratch_types=(
            [pltpu.VMEM((E_PER_W,), jnp.int32),
             pltpu.VMEM((E_PER_W,), jnp.int32)]
            + [pltpu.VMEM((CH, D_H), jnp.float32)] * 2
            + [pltpu.SemaphoreType.DMA] * 4
            + [pltpu.VMEM_SHARED((N, D_H), jnp.float32)]
        ),
    )
    return segsum_deg, segsum



def kernel(x, edge_index, lin0_W, lin0_b, Wn1, Wr1, b1, Wn2, Wr2, b2,
           lin1_W, lin1_b):
    z64 = jnp.zeros((SPAN, D_H), jnp.float32)
    zdeg = jnp.zeros((SPAN,), jnp.float32)
    ones_in = jnp.ones((128,), jnp.float32)
    b0r = lin0_b.reshape(1, D_H)
    b1r = b1.reshape(1, D_H)
    b2r = b2.reshape(1, D_H)
    lbr = lin1_b.reshape(1, D_OUT)

    segsum_deg, segsum = _sc_kernels()
    h = _tc_lin0(x, lin0_W, b0r)
    acc1, deg = segsum_deg(h, edge_index, z64, zdeg, ones_in)
    degt = jnp.transpose(deg.reshape(NC, N))
    x1 = _tc_conv(acc1, degt, h, Wn1, Wr1, b1r)
    acc2 = segsum(x1, edge_index, z64)
    return _tc_final(acc2, degt, h, Wn2, Wr2, b2r, lin1_W, lbr)

# --- scband reference (transcript-rebuilt; emitter-appended) ---
"""Pipeline reference for scband-llm-filter-38869454029358 (READ-ONLY COPY).

The authoritative reference and input builder live on the scoring server;
editing this copy changes nothing except your own understanding.
"""

import jax, jax.numpy as jnp
import numpy as np

N = 10000
E = 160000
D_IN = 256
D_H = 64
D_OUT = 256


def setup_inputs(seed: int = 0) -> dict:
    key = jax.random.key(seed)
    ks = jax.random.split(key, 16)
    x = jax.random.normal(ks[0], (N, D_IN), dtype=jnp.float32)
    edge_index = jax.random.randint(ks[1], (2, E), 0, N, dtype=jnp.int32)
    s_in = 1.0 / np.sqrt(D_IN)
    s_h = 1.0 / np.sqrt(D_H)
    lin0_W = jax.random.normal(ks[2], (D_IN, D_H), dtype=jnp.float32) * s_in
    lin0_b = jnp.zeros((D_H,), dtype=jnp.float32)
    Wn1 = jax.random.normal(ks[3], (D_H, D_H), dtype=jnp.float32) * s_h
    Wr1 = jax.random.normal(ks[4], (D_H, D_H), dtype=jnp.float32) * s_h
    b1 = jnp.zeros((D_H,), dtype=jnp.float32)
    Wn2 = jax.random.normal(ks[5], (D_H, D_H), dtype=jnp.float32) * s_h
    Wr2 = jax.random.normal(ks[6], (D_H, D_H), dtype=jnp.float32) * s_h
    b2 = jnp.zeros((D_H,), dtype=jnp.float32)
    lin1_W = jax.random.normal(ks[7], (D_H, D_OUT), dtype=jnp.float32) * s_h
    lin1_b = jnp.zeros((D_OUT,), dtype=jnp.float32)
    return {"x": x, "edge_index": edge_index, "lin0_W": lin0_W, "lin0_b": lin0_b,
            "Wn1": Wn1, "Wr1": Wr1, "b1": b1, "Wn2": Wn2, "Wr2": Wr2, "b2": b2,
            "lin1_W": lin1_W, "lin1_b": lin1_b}


def reference(x, edge_index, lin0_W, lin0_b, Wn1, Wr1, b1, Wn2, Wr2, b2, lin1_W, lin1_b):
    # dropout is identity in eval mode
    h = jax.nn.relu(x @ lin0_W + lin0_b)
    x_raw = h
    src = edge_index[0]
    dst = edge_index[1]

    def conv(h_in, Wn, Wr, b):
        # message passing: gather from src nodes, mean-aggregate at dst nodes,
        # combine with residual raw features (conv(x, x_raw, edge_index) signature)
        msgs = h_in[src]
        agg = jax.ops.segment_sum(msgs, dst, num_segments=N)
        deg = jax.ops.segment_sum(jnp.ones((E,), dtype=h_in.dtype), dst, num_segments=N)
        mean = agg / jnp.clip(deg, 1.0)[:, None]
        return jax.nn.relu(mean @ Wn + x_raw @ Wr + b)

    x1 = conv(h, Wn1, Wr1, b1)
    x2 = conv(x1, Wn2, Wr2, b2)
    out = x2 @ lin1_W + lin1_b
    return jax.nn.log_softmax(out, axis=1)

if __name__ == "__main__":
    import jax
    _d = setup_inputs()
    print(jax.jit(kernel)(*tuple(_d.values())))

</pallas_src>

<mosaic_0001>
#map = affine_map<(d0, d1) -> (0, 0)>
#map1 = affine_map<(d0, d1) -> (0)>
#map2 = affine_map<(d0, d1) -> (0, 0, 0)>
module attributes {stable_mosaic.version = 14 : i64} {
  func.func @_sc_body_deg(%arg0: i32, %arg1: i32, %arg2: memref<10000x64xf32, #tpu.memory_space<hbm>>, %arg3: memref<2x160000xi32, #tpu.memory_space<hbm>>, %arg4: memref<640x64xf32, #tpu.memory_space<hbm>>, %arg5: memref<640xf32, #tpu.memory_space<hbm>>, %arg6: memref<128xf32, #tpu.memory_space<hbm>>, %arg7: memref<2x10000x64xf32, #tpu.memory_space<hbm>>, %arg8: memref<20000xf32, #tpu.memory_space<hbm>>, %arg9: memref<5000xi32, #tpu.memory_space<vmem>>, %arg10: memref<5000xi32, #tpu.memory_space<vmem>>, %arg11: memref<128x64xf32, #tpu.memory_space<vmem>>, %arg12: memref<128x64xf32, #tpu.memory_space<vmem>>, %arg13: memref<128xf32, #tpu.memory_space<vmem>>, %arg14: memref<640xf32, #tpu.memory_space<vmem>>, %arg15: memref<!tpu.dma_semaphore, #tpu.memory_space<semaphore_mem>>, %arg16: memref<!tpu.dma_semaphore, #tpu.memory_space<semaphore_mem>>, %arg17: memref<!tpu.dma_semaphore, #tpu.memory_space<semaphore_mem>>, %arg18: memref<!tpu.dma_semaphore, #tpu.memory_space<semaphore_mem>>, %arg19: memref<10000x64xf32, #tpu.memory_space<vmem_shared>>, %arg20: memref<10000xf32, #tpu.memory_space<vmem_shared>>) attributes {dimension_semantics = [#tpu.dimension_semantics<core_parallel>, #tpu.dimension_semantics<subcore_parallel>], iteration_bounds = array<i64: 2, 16>, scalar_prefetch = 0 : i64, scratch_operands = 12 : i64, tpu.core_type = #tpu.core_type<sc_vector_subcore>, window_params = [{transform_indices = #map}, {transform_indices = #map}, {transform_indices = #map}, {transform_indices = #map1}, {transform_indices = #map1}, {transform_indices = #map2}, {transform_indices = #map1}]} {
    %mul3A = arith.constant 16 : i32
    %mul3A_0 = arith.muli %arg0, %mul3A : i32
    %add3A = arith.addi %mul3A_0, %arg1 : i32
    "tpu.region"() ({
      %run_scoped3A_119 = tpu.sem_alloc : memref<!tpu.dma_semaphore, #tpu.memory_space<semaphore_mem>>
      tpu.enqueue_dma source(%arg5 : memref<640xf32, #tpu.memory_space<hbm>>) target(%arg14 : memref<640xf32, #tpu.memory_space<vmem>>) target_semaphore(%run_scoped3A_119 : memref<!tpu.dma_semaphore, #tpu.memory_space<semaphore_mem>>)
      tpu.wait_dma2 semaphore(%run_scoped3A_119 : memref<!tpu.dma_semaphore, #tpu.memory_space<semaphore_mem>>) src(%arg5 : memref<640xf32, #tpu.memory_space<hbm>>) dst(%arg14 : memref<640xf32, #tpu.memory_space<vmem>>)
      tpu.yield
    }) : () -> ()
    %lt3A = arith.constant 15 : i32
    %lt3A_1 = arith.cmpi slt, %arg1, %lt3A : i32
    %convert_element_type3A = arith.extui %lt3A_1 : i1 to i32
    %cond3A = arith.constant 0 : i32
    %cond3A_2 = arith.cmpi ne, %convert_element_type3A, %cond3A : i32
    scf.if %cond3A_2 {
      %mul3A_119 = arith.constant 640 : i32
      %mul3A_120 = arith.muli %arg1, %mul3A_119 : i32
      %multiple_of3A_121 = tpu.assume_multiple %mul3A_120, 8 : i32
      "tpu.region"() ({
        %run_scoped3A_122 = tpu.sem_alloc : memref<!tpu.dma_semaphore, #tpu.memory_space<semaphore_mem>>
        %dma_start3A_123 = arith.constant 0 : i32
        %dma_start3A_124 = tpu.memref_slice %arg19[%multiple_of3A_121, %dma_start3A_123] : memref<10000x64xf32, #tpu.memory_space<vmem_shared>> -> memref<640x64xf32, #tpu.memory_space<vmem_shared>>
        tpu.enqueue_dma source(%arg4 : memref<640x64xf32, #tpu.memory_space<hbm>>) target(%dma_start3A_124 : memref<640x64xf32, #tpu.memory_space<vmem_shared>>) target_semaphore(%run_scoped3A_122 : memref<!tpu.dma_semaphore, #tpu.memory_space<semaphore_mem>>)
        %dma_wait3A_125 = arith.constant 0 : i32
        %dma_wait3A_126 = tpu.memref_slice %arg19[%multiple_of3A_121, %dma_wait3A_125] : memref<10000x64xf32, #tpu.memory_space<vmem_shared>> -> memref<640x64xf32, #tpu.memory_space<vmem_shared>>
        tpu.wait_dma2 semaphore(%run_scoped3A_122 : memref<!tpu.dma_semaphore, #tpu.memory_space<semaphore_mem>>) src(%arg4 : memref<640x64xf32, #tpu.memory_space<hbm>>) dst(%dma_wait3A_126 : memref<640x64xf32, #tpu.memory_space<vmem_shared>>)
        tpu.yield
      }) : () -> ()
    } else {
    }
    %eq3A = arith.constant 15 : i32
    %eq3A_3 = arith.cmpi eq, %arg1, %eq3A : i32
    %convert_element_type3A_4 = arith.extui %eq3A_3 : i1 to i32
    %cond3A_5 = arith.constant 0 : i32
    %cond3A_6 = arith.cmpi ne, %convert_element_type3A_4, %cond3A_5 : i32
    scf.if %cond3A_6 {
      "tpu.region"() ({
        %run_scoped3A_119 = tpu.sem_alloc : memref<!tpu.dma_semaphore, #tpu.memory_space<semaphore_mem>>
        %dma_start3A_120 = arith.constant 9600 : i32
        %dma_start3A_121 = arith.constant 0 : i32
        %dma_start3A_122 = tpu.memref_slice %arg19[%dma_start3A_120, %dma_start3A_121] : memref<10000x64xf32, #tpu.memory_space<vmem_shared>> -> memref<400x64xf32, #tpu.memory_space<vmem_shared>>
        %dma_start3A_123 = arith.constant 0 : i32
        %dma_start3A_124 = arith.constant 0 : i32
        %dma_start3A_125 = tpu.memref_slice %arg4[%dma_start3A_123, %dma_start3A_124] : memref<640x64xf32, #tpu.memory_space<hbm>> -> memref<400x64xf32, #tpu.memory_space<hbm>>
        tpu.enqueue_dma source(%dma_start3A_125 : memref<400x64xf32, #tpu.memory_space<hbm>>) target(%dma_start3A_122 : memref<400x64xf32, #tpu.memory_space<vmem_shared>>) target_semaphore(%run_scoped3A_119 : memref<!tpu.dma_semaphore, #tpu.memory_space<semaphore_mem>>)
        %dma_wait3A_126 = arith.constant 9600 : i32
        %dma_wait3A_127 = arith.constant 0 : i32
        %dma_wait3A_128 = tpu.memref_slice %arg19[%dma_wait3A_126, %dma_wait3A_127] : memref<10000x64xf32, #tpu.memory_space<vmem_shared>> -> memref<400x64xf32, #tpu.memory_space<vmem_shared>>
        %dma_wait3A_129 = arith.constant 0 : i32
        %dma_wait3A_130 = arith.constant 0 : i32
        %dma_wait3A_131 = tpu.memref_slice %arg4[%dma_wait3A_129, %dma_wait3A_130] : memref<640x64xf32, #tpu.memory_space<hbm>> -> memref<400x64xf32, #tpu.memory_space<hbm>>
        tpu.wait_dma2 semaphore(%run_scoped3A_119 : memref<!tpu.dma_semaphore, #tpu.memory_space<semaphore_mem>>) src(%dma_wait3A_131 : memref<400x64xf32, #tpu.memory_space<hbm>>) dst(%dma_wait3A_128 : memref<400x64xf32, #tpu.memory_space<vmem_shared>>)
        tpu.yield
      }) : () -> ()
    } else {
    }
    %lt3A_7 = arith.constant 15 : i32
    %lt3A_8 = arith.cmpi slt, %arg1, %lt3A_7 : i32
    %convert_element_type3A_9 = arith.extui %lt3A_8 : i1 to i32
    %cond3A_10 = arith.constant 0 : i32
    %cond3A_11 = arith.cmpi ne, %convert_element_type3A_9, %cond3A_10 : i32
    scf.if %cond3A_11 {
      %mul3A_119 = arith.constant 640 : i32
      %mul3A_120 = arith.muli %arg1, %mul3A_119 : i32
      %multiple_of3A_121 = tpu.assume_multiple %mul3A_120, 8 : i32
      "tpu.region"() ({
        %run_scoped3A_122 = tpu.sem_alloc : memref<!tpu.dma_semaphore, #tpu.memory_space<semaphore_mem>>
        %dma_start3A_123 = tpu.memref_slice %arg20[%multiple_of3A_121] : memref<10000xf32, #tpu.memory_space<vmem_shared>> -> memref<640xf32, #tpu.memory_space<vmem_shared>>
        %dma_start3A_124 = tpu.memref_slice %arg20[%multiple_of3A_121] : memref<10000xf32, #tpu.memory_space<vmem_shared>> -> memref<640xf32, #tpu.memory_space<vmem_shared>>
        tpu.enqueue_dma source(%arg14 : memref<640xf32, #tpu.memory_space<vmem>>) target(%dma_start3A_124 : memref<640xf32, #tpu.memory_space<vmem_shared>>) target_semaphore(%run_scoped3A_122 : memref<!tpu.dma_semaphore, #tpu.memory_space<semaphore_mem>>)
        %dma_wait3A_125 = tpu.memref_slice %arg20[%multiple_of3A_121] : memref<10000xf32, #tpu.memory_space<vmem_shared>> -> memref<640xf32, #tpu.memory_space<vmem_shared>>
        %dma_wait3A_126 = tpu.memref_slice %arg20[%multiple_of3A_121] : memref<10000xf32, #tpu.memory_space<vmem_shared>> -> memref<640xf32, #tpu.memory_space<vmem_shared>>
        tpu.wait_dma2 semaphore(%run_scoped3A_122 : memref<!tpu.dma_semaphore, #tpu.memory_space<semaphore_mem>>) src(%arg14 : memref<640xf32, #tpu.memory_space<vmem>>) dst(%dma_wait3A_126 : memref<640xf32, #tpu.memory_space<vmem_shared>>)
        tpu.yield
      }) : () -> ()
    } else {
    }
    %eq3A_12 = arith.constant 15 : i32
    %eq3A_13 = arith.cmpi eq, %arg1, %eq3A_12 : i32
    %convert_element_type3A_14 = arith.extui %eq3A_13 : i1 to i32
    %cond3A_15 = arith.constant 0 : i32
    %cond3A_16 = arith.cmpi ne, %convert_element_type3A_14, %cond3A_15 : i32
    scf.if %cond3A_16 {
      "tpu.region"() ({
        %run_scoped3A_119 = tpu.sem_alloc : memref<!tpu.dma_semaphore, #tpu.memory_space<semaphore_mem>>
        %dma_start3A_120 = arith.constant 0 : i32
        %dma_start3A_121 = tpu.memref_slice %arg14[%dma_start3A_120] : memref<640xf32, #tpu.memory_space<vmem>> -> memref<400xf32, #tpu.memory_space<vmem>>
        %dma_start3A_122 = arith.constant 9600 : i32
        %dma_start3A_123 = tpu.memref_slice %arg20[%dma_start3A_122] : memref<10000xf32, #tpu.memory_space<vmem_shared>> -> memref<400xf32, #tpu.memory_space<vmem_shared>>
        %dma_start3A_124 = arith.constant 9600 : i32
        %dma_start3A_125 = tpu.memref_slice %arg20[%dma_start3A_124] : memref<10000xf32, #tpu.memory_space<vmem_shared>> -> memref<400xf32, #tpu.memory_space<vmem_shared>>
        %dma_start3A_126 = arith.constant 0 : i32
        %dma_start3A_127 = tpu.memref_slice %arg14[%dma_start3A_126] : memref<640xf32, #tpu.memory_space<vmem>> -> memref<400xf32, #tpu.memory_space<vmem>>
        tpu.enqueue_dma source(%dma_start3A_127 : memref<400xf32, #tpu.memory_space<vmem>>) target(%dma_start3A_125 : memref<400xf32, #tpu.memory_space<vmem_shared>>) target_semaphore(%run_scoped3A_119 : memref<!tpu.dma_semaphore, #tpu.memory_space<semaphore_mem>>)
        %dma_wait3A_128 = arith.constant 0 : i32
        %dma_wait3A_129 = tpu.memref_slice %arg14[%dma_wait3A_128] : memref<640xf32, #tpu.memory_space<vmem>> -> memref<400xf32, #tpu.memory_space<vmem>>
        %dma_wait3A_130 = arith.constant 9600 : i32
        %dma_wait3A_131 = tpu.memref_slice %arg20[%dma_wait3A_130] : memref<10000xf32, #tpu.memory_space<vmem_shared>> -> memref<400xf32, #tpu.memory_space<vmem_shared>>
        %dma_wait3A_132 = arith.constant 9600 : i32
        %dma_wait3A_133 = tpu.memref_slice %arg20[%dma_wait3A_132] : memref<10000xf32, #tpu.memory_space<vmem_shared>> -> memref<400xf32, #tpu.memory_space<vmem_shared>>
        %dma_wait3A_134 = arith.constant 0 : i32
        %dma_wait3A_135 = tpu.memref_slice %arg14[%dma_wait3A_134] : memref<640xf32, #tpu.memory_space<vmem>> -> memref<400xf32, #tpu.memory_space<vmem>>
        tpu.wait_dma2 semaphore(%run_scoped3A_119 : memref<!tpu.dma_semaphore, #tpu.memory_space<semaphore_mem>>) src(%dma_wait3A_135 : memref<400xf32, #tpu.memory_space<vmem>>) dst(%dma_wait3A_133 : memref<400xf32, #tpu.memory_space<vmem_shared>>)
        tpu.yield
      }) : () -> ()
    } else {
    }
    %mul3A_17 = arith.constant 5000 : i32
    %mul3A_18 = arith.muli %add3A, %mul3A_17 : i32
    %multiple_of3A = tpu.assume_multiple %mul3A_18, 8 : i32
    %run_scoped3A = arith.constant 0 : i32
    "tpu.region"() ({
      %run_scoped3A_119 = tpu.sem_alloc : memref<!tpu.dma_semaphore, #tpu.memory_space<semaphore_mem>>
      %dma_start3A_120 = arith.constant 0 : i32
      %dma_start3A_121 = tpu.memref_slice %arg3[%run_scoped3A, %dma_start3A_120] : memref<2x160000xi32, #tpu.memory_space<hbm>> -> memref<1x160000xi32, #tpu.memory_space<hbm>>
      %dma_start3A_122 = tpu.memref_squeeze %dma_start3A_121 : memref<1x160000xi32, #tpu.memory_space<hbm>> -> memref<160000xi32, #tpu.memory_space<hbm>>
      %dma_start3A_123 = tpu.memref_slice %dma_start3A_122[%multiple_of3A] : memref<160000xi32, #tpu.memory_space<hbm>> -> memref<5000xi32, #tpu.memory_space<hbm>>
      %dma_start3A_124 = arith.constant 0 : i32
      %dma_start3A_125 = tpu.memref_slice %arg3[%run_scoped3A, %dma_start3A_124] : memref<2x160000xi32, #tpu.memory_space<hbm>> -> memref<1x160000xi32, #tpu.memory_space<hbm>>
      %dma_start3A_126 = tpu.memref_squeeze %dma_start3A_125 : memref<1x160000xi32, #tpu.memory_space<hbm>> -> memref<160000xi32, #tpu.memory_space<hbm>>
      %dma_start3A_127 = tpu.memref_slice %dma_start3A_126[%multiple_of3A] : memref<160000xi32, #tpu.memory_space<hbm>> -> memref<5000xi32, #tpu.memory_space<hbm>>
      tpu.enqueue_dma source(%dma_start3A_127 : memref<5000xi32, #tpu.memory_space<hbm>>) target(%arg9 : memref<5000xi32, #tpu.memory_space<vmem>>) target_semaphore(%run_scoped3A_119 : memref<!tpu.dma_semaphore, #tpu.memory_space<semaphore_mem>>)
      %dma_wait3A_128 = arith.constant 0 : i32
      %dma_wait3A_129 = tpu.memref_slice %arg3[%run_scoped3A, %dma_wait3A_128] : memref<2x160000xi32, #tpu.memory_space<hbm>> -> memref<1x160000xi32, #tpu.memory_space<hbm>>
      %dma_wait3A_130 = tpu.memref_squeeze %dma_wait3A_129 : memref<1x160000xi32, #tpu.memory_space<hbm>> -> memref<160000xi32, #tpu.memory_space<hbm>>
      %dma_wait3A_131 = tpu.memref_slice %dma_wait3A_130[%multiple_of3A] : memref<160000xi32, #tpu.memory_space<hbm>> -> memref<5000xi32, #tpu.memory_space<hbm>>
      %dma_wait3A_132 = arith.constant 0 : i32
      %dma_wait3A_133 = tpu.memref_slice %arg3[%run_scoped3A, %dma_wait3A_132] : memref<2x160000xi32, #tpu.memory_space<hbm>> -> memref<1x160000xi32, #tpu.memory_space<hbm>>
      %dma_wait3A_134 = tpu.memref_squeeze %dma_wait3A_133 : memref<1x160000xi32, #tpu.memory_space<hbm>> -> memref<160000xi32, #tpu.memory_space<hbm>>
      %dma_wait3A_135 = tpu.memref_slice %dma_wait3A_134[%multiple_of3A] : memref<160000xi32, #tpu.memory_space<hbm>> -> memref<5000xi32, #tpu.memory_space<hbm>>
      tpu.wait_dma2 semaphore(%run_scoped3A_119 : memref<!tpu.dma_semaphore, #tpu.memory_space<semaphore_mem>>) src(%dma_wait3A_135 : memref<5000xi32, #tpu.memory_space<hbm>>) dst(%arg9 : memref<5000xi32, #tpu.memory_space<vmem>>)
      tpu.yield
    }) : () -> ()
    %run_scoped3A_19 = arith.constant 1 : i32
    "tpu.region"() ({
      %run_scoped3A_119 = tpu.sem_alloc : memref<!tpu.dma_semaphore, #tpu.memory_space<semaphore_mem>>
      %dma_start3A_120 = arith.constant 0 : i32
      %dma_start3A_121 = tpu.memref_slice %arg3[%run_scoped3A_19, %dma_start3A_120] : memref<2x160000xi32, #tpu.memory_space<hbm>> -> memref<1x160000xi32, #tpu.memory_space<hbm>>
      %dma_start3A_122 = tpu.memref_squeeze %dma_start3A_121 : memref<1x160000xi32, #tpu.memory_space<hbm>> -> memref<160000xi32, #tpu.memory_space<hbm>>
      %dma_start3A_123 = tpu.memref_slice %dma_start3A_122[%multiple_of3A] : memref<160000xi32, #tpu.memory_space<hbm>> -> memref<5000xi32, #tpu.memory_space<hbm>>
      %dma_start3A_124 = arith.constant 0 : i32
      %dma_start3A_125 = tpu.memref_slice %arg3[%run_scoped3A_19, %dma_start3A_124] : memref<2x160000xi32, #tpu.memory_space<hbm>> -> memref<1x160000xi32, #tpu.memory_space<hbm>>
      %dma_start3A_126 = tpu.memref_squeeze %dma_start3A_125 : memref<1x160000xi32, #tpu.memory_space<hbm>> -> memref<160000xi32, #tpu.memory_space<hbm>>
      %dma_start3A_127 = tpu.memref_slice %dma_start3A_126[%multiple_of3A] : memref<160000xi32, #tpu.memory_space<hbm>> -> memref<5000xi32, #tpu.memory_space<hbm>>
      tpu.enqueue_dma source(%dma_start3A_127 : memref<5000xi32, #tpu.memory_space<hbm>>) target(%arg10 : memref<5000xi32, #tpu.memory_space<vmem>>) target_semaphore(%run_scoped3A_119 : memref<!tpu.dma_semaphore, #tpu.memory_space<semaphore_mem>>)
      %dma_wait3A_128 = arith.constant 0 : i32
      %dma_wait3A_129 = tpu.memref_slice %arg3[%run_scoped3A_19, %dma_wait3A_128] : memref<2x160000xi32, #tpu.memory_space<hbm>> -> memref<1x160000xi32, #tpu.memory_space<hbm>>
      %dma_wait3A_130 = tpu.memref_squeeze %dma_wait3A_129 : memref<1x160000xi32, #tpu.memory_space<hbm>> -> memref<160000xi32, #tpu.memory_space<hbm>>
      %dma_wait3A_131 = tpu.memref_slice %dma_wait3A_130[%multiple_of3A] : memref<160000xi32, #tpu.memory_space<hbm>> -> memref<5000xi32, #tpu.memory_space<hbm>>
      %dma_wait3A_132 = arith.constant 0 : i32
      %dma_wait3A_133 = tpu.memref_slice %arg3[%run_scoped3A_19, %dma_wait3A_132] : memref<2x160000xi32, #tpu.memory_space<hbm>> -> memref<1x160000xi32, #tpu.memory_space<hbm>>
      %dma_wait3A_134 = tpu.memref_squeeze %dma_wait3A_133 : memref<1x160000xi32, #tpu.memory_space<hbm>> -> memref<160000xi32, #tpu.memory_space<hbm>>
      %dma_wait3A_135 = tpu.memref_slice %dma_wait3A_134[%multiple_of3A] : memref<160000xi32, #tpu.memory_space<hbm>> -> memref<5000xi32, #tpu.memory_space<hbm>>
      tpu.wait_dma2 semaphore(%run_scoped3A_119 : memref<!tpu.dma_semaphore, #tpu.memory_space<semaphore_mem>>) src(%dma_wait3A_135 : memref<5000xi32, #tpu.memory_space<hbm>>) dst(%arg10 : memref<5000xi32, #tpu.memory_space<vmem>>)
      tpu.yield
    }) : () -> ()
    "tpu.region"() ({
      %run_scoped3A_119 = tpu.sem_alloc : memref<!tpu.dma_semaphore, #tpu.memory_space<semaphore_mem>>
      tpu.enqueue_dma source(%arg6 : memref<128xf32, #tpu.memory_space<hbm>>) target(%arg13 : memref<128xf32, #tpu.memory_space<vmem>>) target_semaphore(%run_scoped3A_119 : memref<!tpu.dma_semaphore, #tpu.memory_space<semaphore_mem>>)
      tpu.wait_dma2 semaphore(%run_scoped3A_119 : memref<!tpu.dma_semaphore, #tpu.memory_space<semaphore_mem>>) src(%arg6 : memref<128xf32, #tpu.memory_space<hbm>>) dst(%arg13 : memref<128xf32, #tpu.memory_space<vmem>>)
      tpu.yield
    }) : () -> ()
    %barrier3A = arith.constant 0 : index
    tpu.barrier barrier_id(%barrier3A)
    %multiple_of3A_20 = arith.constant 0 : i32
    %multiple_of3A_21 = tpu.assume_multiple %multiple_of3A_20, 8 : i32
    %dma_start3A = tpu.memref_slice %arg9[%multiple_of3A_21] : memref<5000xi32, #tpu.memory_space<vmem>> -> memref<128xi32, #tpu.memory_space<vmem>>
    %dma_start3A_22 = arith.constant 0 : i32
    %dma_start3A_23 = arith.constant 0 : i32
    %dma_start3A_24 = tpu.memref_slice %arg2[%dma_start3A_22, %dma_start3A_23] : memref<10000x64xf32, #tpu.memory_space<hbm>> -> memref<10000x64xf32, #tpu.memory_space<hbm>>
    tpu.enqueue_indirect_dma source(%dma_start3A_24 : memref<10000x64xf32, #tpu.memory_space<hbm>>) target(%arg11 : memref<128x64xf32, #tpu.memory_space<vmem>>) offsets(%dma_start3A : memref<128xi32, #tpu.memory_space<vmem>>) semaphore(%arg15 : memref<!tpu.dma_semaphore, #tpu.memory_space<semaphore_mem>>)
    %multiple_of3A_25 = arith.constant 128 : i32
    %multiple_of3A_26 = tpu.assume_multiple %multiple_of3A_25, 8 : i32
    %dma_start3A_27 = tpu.memref_slice %arg9[%multiple_of3A_26] : memref<5000xi32, #tpu.memory_space<vmem>> -> memref<128xi32, #tpu.memory_space<vmem>>
    %dma_start3A_28 = arith.constant 0 : i32
    %dma_start3A_29 = arith.constant 0 : i32
    %dma_start3A_30 = tpu.memref_slice %arg2[%dma_start3A_28, %dma_start3A_29] : memref<10000x64xf32, #tpu.memory_space<hbm>> -> memref<10000x64xf32, #tpu.memory_space<hbm>>
    tpu.enqueue_indirect_dma source(%dma_start3A_30 : memref<10000x64xf32, #tpu.memory_space<hbm>>) target(%arg12 : memref<128x64xf32, #tpu.memory_space<vmem>>) offsets(%dma_start3A_27 : memref<128xi32, #tpu.memory_space<vmem>>) semaphore(%arg16 : memref<!tpu.dma_semaphore, #tpu.memory_space<semaphore_mem>>)
    %scan3A = arith.constant 0 : i32
    %scan3A_31 = arith.constant 0 : i32
    %scan3A_32 = arith.constant 19 : i32
    %scan3A_33 = arith.addi %scan3A_31, %scan3A_32 : i32
    %scan3A_34 = arith.constant 1 : i32
    scf.for %scan3A_119 = %scan3A_31 to %scan3A_33 step %scan3A_34  : i32 {
      %multiple_of3A_120 = arith.constant 0 : i32
      %multiple_of3A_121 = tpu.assume_multiple %multiple_of3A_120, 8 : i32
      %dma_wait3A_122 = tpu.memref_slice %arg9[%multiple_of3A_121] : memref<5000xi32, #tpu.memory_space<vmem>> -> memref<128xi32, #tpu.memory_space<vmem>>
      %dma_wait3A_123 = arith.constant 0 : i32
      %dma_wait3A_124 = arith.constant 0 : i32
      %dma_wait3A_125 = tpu.memref_slice %arg2[%dma_wait3A_123, %dma_wait3A_124] : memref<10000x64xf32, #tpu.memory_space<hbm>> -> memref<10000x64xf32, #tpu.memory_space<hbm>>
      tpu.wait_indirect_dma semaphore(%arg15 : memref<!tpu.dma_semaphore, #tpu.memory_space<semaphore_mem>>) src(%dma_wait3A_125 : memref<10000x64xf32, #tpu.memory_space<hbm>>) dst(%arg11 : memref<128x64xf32, #tpu.memory_space<vmem>>)
      %mul3A_126 = arith.constant 2 : i32
      %mul3A_127 = arith.muli %mul3A_126, %scan3A_119 : i32
      %mul3A_128 = arith.constant 128 : i32
      %mul3A_129 = arith.muli %mul3A_127, %mul3A_128 : i32
      %multiple_of3A_130 = tpu.assume_multiple %mul3A_129, 8 : i32
      %dma_start3A_131 = tpu.memref_slice %arg10[%multiple_of3A_130] : memref<5000xi32, #tpu.memory_space<vmem>> -> memref<128xi32, #tpu.memory_space<vmem>>
      %dma_start3A_132 = arith.constant 0 : i32
      %dma_start3A_133 = arith.constant 0 : i32
      %dma_start3A_134 = tpu.memref_slice %arg19[%dma_start3A_132, %dma_start3A_133] : memref<10000x64xf32, #tpu.memory_space<vmem_shared>> -> memref<10000x64xf32, #tpu.memory_space<vmem_shared>>
      tpu.enqueue_indirect_dma source(%arg11 : memref<128x64xf32, #tpu.memory_space<vmem>>) target(%dma_start3A_134 : memref<10000x64xf32, #tpu.memory_space<vmem_shared>>) offsets(%dma_start3A_131 : memref<128xi32, #tpu.memory_space<vmem>>) semaphore(%arg17 : memref<!tpu.dma_semaphore, #tpu.memory_space<semaphore_mem>>) {add = true}
      %mul3A_135 = arith.constant 128 : i32
      %mul3A_136 = arith.muli %mul3A_127, %mul3A_135 : i32
      %multiple_of3A_137 = tpu.assume_multiple %mul3A_136, 8 : i32
      "tpu.region"() ({
        %run_scoped3A_168 = tpu.sem_alloc : memref<!tpu.dma_semaphore, #tpu.memory_space<semaphore_mem>>
        %dma_start3A_169 = tpu.memref_slice %arg10[%multiple_of3A_137] : memref<5000xi32, #tpu.memory_space<vmem>> -> memref<128xi32, #tpu.memory_space<vmem>>
        %dma_start3A_170 = arith.constant 0 : i32
        %dma_start3A_171 = tpu.memref_slice %arg20[%dma_start3A_170] : memref<10000xf32, #tpu.memory_space<vmem_shared>> -> memref<10000xf32, #tpu.memory_space<vmem_shared>>
        tpu.enqueue_indirect_dma source(%arg13 : memref<128xf32, #tpu.memory_space<vmem>>) target(%dma_start3A_171 : memref<10000xf32, #tpu.memory_space<vmem_shared>>) offsets(%dma_start3A_169 : memref<128xi32, #tpu.memory_space<vmem>>) semaphore(%run_scoped3A_168 : memref<!tpu.dma_semaphore, #tpu.memory_space<semaphore_mem>>) {add = true}
        %dma_wait3A_172 = tpu.memref_slice %arg10[%multiple_of3A_137] : memref<5000xi32, #tpu.memory_space<vmem>> -> memref<128xi32, #tpu.memory_space<vmem>>
        %dma_wait3A_173 = arith.constant 0 : i32
        %dma_wait3A_174 = tpu.memref_slice %arg20[%dma_wait3A_173] : memref<10000xf32, #tpu.memory_space<vmem_shared>> -> memref<10000xf32, #tpu.memory_space<vmem_shared>>
        tpu.wait_indirect_dma semaphore(%run_scoped3A_168 : memref<!tpu.dma_semaphore, #tpu.memory_space<semaphore_mem>>) src(%arg13 : memref<128xf32, #tpu.memory_space<vmem>>) dst(%dma_wait3A_174 : memref<10000xf32, #tpu.memory_space<vmem_shared>>)
        tpu.yield
      }) : () -> ()
      %lt3A_138 = arith.constant 18 : i32
      %lt3A_139 = arith.cmpi slt, %scan3A_119, %lt3A_138 : i32
      %convert_element_type3A_140 = arith.extui %lt3A_139 : i1 to i32
      %cond3A_141 = arith.constant 0 : i32
      %cond3A_142 = arith.cmpi ne, %convert_element_type3A_140, %cond3A_141 : i32
      scf.if %cond3A_142 {
        %multiple_of3A_168 = arith.constant 0 : i32
        %multiple_of3A_169 = tpu.assume_multiple %multiple_of3A_168, 8 : i32
        %dma_wait3A_170 = tpu.memref_slice %arg9[%multiple_of3A_169] : memref<5000xi32, #tpu.memory_space<vmem>> -> memref<128xi32, #tpu.memory_space<vmem>>
        %dma_wait3A_171 = arith.constant 0 : i32
        %dma_wait3A_172 = arith.constant 0 : i32
        %dma_wait3A_173 = tpu.memref_slice %arg2[%dma_wait3A_171, %dma_wait3A_172] : memref<10000x64xf32, #tpu.memory_space<hbm>> -> memref<10000x64xf32, #tpu.memory_space<hbm>>
        tpu.wait_indirect_dma semaphore(%arg17 : memref<!tpu.dma_semaphore, #tpu.memory_space<semaphore_mem>>) src(%dma_wait3A_173 : memref<10000x64xf32, #tpu.memory_space<hbm>>) dst(%arg11 : memref<128x64xf32, #tpu.memory_space<vmem>>)
        %mul3A_174 = arith.constant 2 : i32
        %mul3A_175 = arith.muli %mul3A_174, %scan3A_119 : i32
        %add3A_176 = arith.constant 2 : i32
        %add3A_177 = arith.addi %mul3A_175, %add3A_176 : i32
        %mul3A_178 = arith.constant 128 : i32
        %mul3A_179 = arith.muli %add3A_177, %mul3A_178 : i32
        %multiple_of3A_180 = tpu.assume_multiple %mul3A_179, 8 : i32
        %dma_start3A_181 = tpu.memref_slice %arg9[%multiple_of3A_180] : memref<5000xi32, #tpu.memory_space<vmem>> -> memref<128xi32, #tpu.memory_space<vmem>>
        %dma_start3A_182 = arith.constant 0 : i32
        %dma_start3A_183 = arith.constant 0 : i32
        %dma_start3A_184 = tpu.memref_slice %arg2[%dma_start3A_182, %dma_start3A_183] : memref<10000x64xf32, #tpu.memory_space<hbm>> -> memref<10000x64xf32, #tpu.memory_space<hbm>>
        tpu.enqueue_indirect_dma source(%dma_start3A_184 : memref<10000x64xf32, #tpu.memory_space<hbm>>) target(%arg11 : memref<128x64xf32, #tpu.memory_space<vmem>>) offsets(%dma_start3A_181 : memref<128xi32, #tpu.memory_space<vmem>>) semaphore(%arg15 : memref<!tpu.dma_semaphore, #tpu.memory_space<semaphore_mem>>)
      } else {
      }
      %multiple_of3A_143 = arith.constant 0 : i32
      %multiple_of3A_144 = tpu.assume_multiple %multiple_of3A_143, 8 : i32
      %dma_wait3A_145 = tpu.memref_slice %arg9[%multiple_of3A_144] : memref<5000xi32, #tpu.memory_space<vmem>> -> memref<128xi32, #tpu.memory_space<vmem>>
      %dma_wait3A_146 = arith.constant 0 : i32
      %dma_wait3A_147 = arith.constant 0 : i32
      %dma_wait3A_148 = tpu.memref_slice %arg2[%dma_wait3A_146, %dma_wait3A_147] : memref<10000x64xf32, #tpu.memory_space<hbm>> -> memref<10000x64xf32, #tpu.memory_space<hbm>>
      tpu.wait_indirect_dma semaphore(%arg16 : memref<!tpu.dma_semaphore, #tpu.memory_space<semaphore_mem>>) src(%dma_wait3A_148 : memref<10000x64xf32, #tpu.memory_space<hbm>>) dst(%arg12 : memref<128x64xf32, #tpu.memory_space<vmem>>)
      %mul3A_149 = arith.constant 2 : i32
      %mul3A_150 = arith.muli %mul3A_149, %scan3A_119 : i32
      %add3A_151 = arith.constant 1 : i32
      %add3A_152 = arith.addi %mul3A_150, %add3A_151 : i32
      %mul3A_153 = arith.constant 128 : i32
      %mul3A_154 = arith.muli %add3A_152, %mul3A_153 : i32
      %multiple_of3A_155 = tpu.assume_multiple %mul3A_154, 8 : i32
      %dma_start3A_156 = tpu.memref_slice %arg10[%multiple_of3A_155] : memref<5000xi32, #tpu.memory_space<vmem>> -> memref<128xi32, #tpu.memory_space<vmem>>
      %dma_start3A_157 = arith.constant 0 : i32
      %dma_start3A_158 = arith.constant 0 : i32
      %dma_start3A_159 = tpu.memref_slice %arg19[%dma_start3A_157, %dma_start3A_158] : memref<10000x64xf32, #tpu.memory_space<vmem_shared>> -> memref<10000x64xf32, #tpu.memory_space<vmem_shared>>
      tpu.enqueue_indirect_dma source(%arg12 : memref<128x64xf32, #tpu.memory_space<vmem>>) target(%dma_start3A_159 : memref<10000x64xf32, #tpu.memory_space<vmem_shared>>) offsets(%dma_start3A_156 : memref<128xi32, #tpu.memory_space<vmem>>) semaphore(%arg18 : memref<!tpu.dma_semaphore, #tpu.memory_space<semaphore_mem>>) {add = true}
      %mul3A_160 = arith.constant 128 : i32
      %mul3A_161 = arith.muli %add3A_152, %mul3A_160 : i32
      %multiple_of3A_162 = tpu.assume_multiple %mul3A_161, 8 : i32
      "tpu.region"() ({
        %run_scoped3A_168 = tpu.sem_alloc : memref<!tpu.dma_semaphore, #tpu.memory_space<semaphore_mem>>
        %dma_start3A_169 = tpu.memref_slice %arg10[%multiple_of3A_162] : memref<5000xi32, #tpu.memory_space<vmem>> -> memref<128xi32, #tpu.memory_space<vmem>>
        %dma_start3A_170 = arith.constant 0 : i32
        %dma_start3A_171 = tpu.memref_slice %arg20[%dma_start3A_170] : memref<10000xf32, #tpu.memory_space<vmem_shared>> -> memref<10000xf32, #tpu.memory_space<vmem_shared>>
        tpu.enqueue_indirect_dma source(%arg13 : memref<128xf32, #tpu.memory_space<vmem>>) target(%dma_start3A_171 : memref<10000xf32, #tpu.memory_space<vmem_shared>>) offsets(%dma_start3A_169 : memref<128xi32, #tpu.memory_space<vmem>>) semaphore(%run_scoped3A_168 : memref<!tpu.dma_semaphore, #tpu.memory_space<semaphore_mem>>) {add = true}
        %dma_wait3A_172 = tpu.memref_slice %arg10[%multiple_of3A_162] : memref<5000xi32, #tpu.memory_space<vmem>> -> memref<128xi32, #tpu.memory_space<vmem>>
        %dma_wait3A_173 = arith.constant 0 : i32
        %dma_wait3A_174 = tpu.memref_slice %arg20[%dma_wait3A_173] : memref<10000xf32, #tpu.memory_space<vmem_shared>> -> memref<10000xf32, #tpu.memory_space<vmem_shared>>
        tpu.wait_indirect_dma semaphore(%run_scoped3A_168 : memref<!tpu.dma_semaphore, #tpu.memory_space<semaphore_mem>>) src(%arg13 : memref<128xf32, #tpu.memory_space<vmem>>) dst(%dma_wait3A_174 : memref<10000xf32, #tpu.memory_space<vmem_shared>>)
        tpu.yield
      }) : () -> ()
      %lt3A_163 = arith.constant 18 : i32
      %lt3A_164 = arith.cmpi slt, %scan3A_119, %lt3A_163 : i32
      %convert_element_type3A_165 = arith.extui %lt3A_164 : i1 to i32
      %cond3A_166 = arith.constant 0 : i32
      %cond3A_167 = arith.cmpi ne, %convert_element_type3A_165, %cond3A_166 : i32
      scf.if %cond3A_167 {
        %multiple_of3A_168 = arith.constant 0 : i32
        %multiple_of3A_169 = tpu.assume_multiple %multiple_of3A_168, 8 : i32
        %dma_wait3A_170 = tpu.memref_slice %arg9[%multiple_of3A_169] : memref<5000xi32, #tpu.memory_space<vmem>> -> memref<128xi32, #tpu.memory_space<vmem>>
        %dma_wait3A_171 = arith.constant 0 : i32
        %dma_wait3A_172 = arith.constant 0 : i32
        %dma_wait3A_173 = tpu.memref_slice %arg2[%dma_wait3A_171, %dma_wait3A_172] : memref<10000x64xf32, #tpu.memory_space<hbm>> -> memref<10000x64xf32, #tpu.memory_space<hbm>>
        tpu.wait_indirect_dma semaphore(%arg18 : memref<!tpu.dma_semaphore, #tpu.memory_space<semaphore_mem>>) src(%dma_wait3A_173 : memref<10000x64xf32, #tpu.memory_space<hbm>>) dst(%arg12 : memref<128x64xf32, #tpu.memory_space<vmem>>)
        %mul3A_174 = arith.constant 2 : i32
        %mul3A_175 = arith.muli %mul3A_174, %scan3A_119 : i32
        %add3A_176 = arith.constant 3 : i32
        %add3A_177 = arith.addi %mul3A_175, %add3A_176 : i32
        %mul3A_178 = arith.constant 128 : i32
        %mul3A_179 = arith.muli %add3A_177, %mul3A_178 : i32
        %multiple_of3A_180 = tpu.assume_multiple %mul3A_179, 8 : i32
        %dma_start3A_181 = tpu.memref_slice %arg9[%multiple_of3A_180] : memref<5000xi32, #tpu.memory_space<vmem>> -> memref<128xi32, #tpu.memory_space<vmem>>
        %dma_start3A_182 = arith.constant 0 : i32
        %dma_start3A_183 = arith.constant 0 : i32
        %dma_start3A_184 = tpu.memref_slice %arg2[%dma_start3A_182, %dma_start3A_183] : memref<10000x64xf32, #tpu.memory_space<hbm>> -> memref<10000x64xf32, #tpu.memory_space<hbm>>
        tpu.enqueue_indirect_dma source(%dma_start3A_184 : memref<10000x64xf32, #tpu.memory_space<hbm>>) target(%arg12 : memref<128x64xf32, #tpu.memory_space<vmem>>) offsets(%dma_start3A_181 : memref<128xi32, #tpu.memory_space<vmem>>) semaphore(%arg16 : memref<!tpu.dma_semaphore, #tpu.memory_space<semaphore_mem>>)
      } else {
      }
    }
    %scan3A_35 = arith.constant 19 : i32
    %multiple_of3A_36 = arith.constant 0 : i32
    %multiple_of3A_37 = tpu.assume_multiple %multiple_of3A_36, 8 : i32
    %dma_wait3A = tpu.memref_slice %arg9[%multiple_of3A_37] : memref<5000xi32, #tpu.memory_space<vmem>> -> memref<128xi32, #tpu.memory_space<vmem>>
    %dma_wait3A_38 = arith.constant 0 : i32
    %dma_wait3A_39 = arith.constant 0 : i32
    %dma_wait3A_40 = tpu.memref_slice %arg2[%dma_wait3A_38, %dma_wait3A_39] : memref<10000x64xf32, #tpu.memory_space<hbm>> -> memref<10000x64xf32, #tpu.memory_space<hbm>>
    tpu.wait_indirect_dma semaphore(%arg17 : memref<!tpu.dma_semaphore, #tpu.memory_space<semaphore_mem>>) src(%dma_wait3A_40 : memref<10000x64xf32, #tpu.memory_space<hbm>>) dst(%arg11 : memref<128x64xf32, #tpu.memory_space<vmem>>)
    %multiple_of3A_41 = arith.constant 0 : i32
    %multiple_of3A_42 = tpu.assume_multiple %multiple_of3A_41, 8 : i32
    %dma_wait3A_43 = tpu.memref_slice %arg9[%multiple_of3A_42] : memref<5000xi32, #tpu.memory_space<vmem>> -> memref<128xi32, #tpu.memory_space<vmem>>
    %dma_wait3A_44 = arith.constant 0 : i32
    %dma_wait3A_45 = arith.constant 0 : i32
    %dma_wait3A_46 = tpu.memref_slice %arg2[%dma_wait3A_44, %dma_wait3A_45] : memref<10000x64xf32, #tpu.memory_space<hbm>> -> memref<10000x64xf32, #tpu.memory_space<hbm>>
    tpu.wait_indirect_dma semaphore(%arg18 : memref<!tpu.dma_semaphore, #tpu.memory_space<semaphore_mem>>) src(%dma_wait3A_46 : memref<10000x64xf32, #tpu.memory_space<hbm>>) dst(%arg12 : memref<128x64xf32, #tpu.memory_space<vmem>>)
    %multiple_of3A_47 = arith.constant 4864 : i32
    %multiple_of3A_48 = tpu.assume_multiple %multiple_of3A_47, 8 : i32
    %dma_start3A_49 = tpu.memref_slice %arg9[%multiple_of3A_48] : memref<5000xi32, #tpu.memory_space<vmem>> -> memref<128xi32, #tpu.memory_space<vmem>>
    %dma_start3A_50 = arith.constant 0 : i32
    %dma_start3A_51 = arith.constant 0 : i32
    %dma_start3A_52 = tpu.memref_slice %arg2[%dma_start3A_50, %dma_start3A_51] : memref<10000x64xf32, #tpu.memory_space<hbm>> -> memref<10000x64xf32, #tpu.memory_space<hbm>>
    tpu.enqueue_indirect_dma source(%dma_start3A_52 : memref<10000x64xf32, #tpu.memory_space<hbm>>) target(%arg11 : memref<128x64xf32, #tpu.memory_space<vmem>>) offsets(%dma_start3A_49 : memref<128xi32, #tpu.memory_space<vmem>>) semaphore(%arg15 : memref<!tpu.dma_semaphore, #tpu.memory_space<semaphore_mem>>)
    %dma_start3A_53 = arith.constant 0 : i32
    %dma_start3A_54 = arith.constant 0 : i32
    %dma_start3A_55 = tpu.memref_slice %arg12[%dma_start3A_53, %dma_start3A_54] : memref<128x64xf32, #tpu.memory_space<vmem>> -> memref<8x64xf32, #tpu.memory_space<vmem>>
    %dma_start3A_56 = arith.constant 4992 : i32
    %dma_start3A_57 = tpu.memref_slice %arg9[%dma_start3A_56] : memref<5000xi32, #tpu.memory_space<vmem>> -> memref<8xi32, #tpu.memory_space<vmem>>
    %dma_start3A_58 = arith.constant 0 : i32
    %dma_start3A_59 = arith.constant 0 : i32
    %dma_start3A_60 = tpu.memref_slice %arg2[%dma_start3A_58, %dma_start3A_59] : memref<10000x64xf32, #tpu.memory_space<hbm>> -> memref<10000x64xf32, #tpu.memory_space<hbm>>
    tpu.enqueue_indirect_dma source(%dma_start3A_60 : memref<10000x64xf32, #tpu.memory_space<hbm>>) target(%dma_start3A_55 : memref<8x64xf32, #tpu.memory_space<vmem>>) offsets(%dma_start3A_57 : memref<8xi32, #tpu.memory_space<vmem>>) semaphore(%arg16 : memref<!tpu.dma_semaphore, #tpu.memory_space<semaphore_mem>>)
    %multiple_of3A_61 = arith.constant 0 : i32
    %multiple_of3A_62 = tpu.assume_multiple %multiple_of3A_61, 8 : i32
    %dma_wait3A_63 = tpu.memref_slice %arg9[%multiple_of3A_62] : memref<5000xi32, #tpu.memory_space<vmem>> -> memref<128xi32, #tpu.memory_space<vmem>>
    %dma_wait3A_64 = arith.constant 0 : i32
    %dma_wait3A_65 = arith.constant 0 : i32
    %dma_wait3A_66 = tpu.memref_slice %arg2[%dma_wait3A_64, %dma_wait3A_65] : memref<10000x64xf32, #tpu.memory_space<hbm>> -> memref<10000x64xf32, #tpu.memory_space<hbm>>
    tpu.wait_indirect_dma semaphore(%arg15 : memref<!tpu.dma_semaphore, #tpu.memory_space<semaphore_mem>>) src(%dma_wait3A_66 : memref<10000x64xf32, #tpu.memory_space<hbm>>) dst(%arg11 : memref<128x64xf32, #tpu.memory_space<vmem>>)
    %multiple_of3A_67 = arith.constant 4864 : i32
    %multiple_of3A_68 = tpu.assume_multiple %multiple_of3A_67, 8 : i32
    %dma_start3A_69 = tpu.memref_slice %arg10[%multiple_of3A_68] : memref<5000xi32, #tpu.memory_space<vmem>> -> memref<128xi32, #tpu.memory_space<vmem>>
    %dma_start3A_70 = arith.constant 0 : i32
    %dma_start3A_71 = arith.constant 0 : i32
    %dma_start3A_72 = tpu.memref_slice %arg19[%dma_start3A_70, %dma_start3A_71] : memref<10000x64xf32, #tpu.memory_space<vmem_shared>> -> memref<10000x64xf32, #tpu.memory_space<vmem_shared>>
    tpu.enqueue_indirect_dma source(%arg11 : memref<128x64xf32, #tpu.memory_space<vmem>>) target(%dma_start3A_72 : memref<10000x64xf32, #tpu.memory_space<vmem_shared>>) offsets(%dma_start3A_69 : memref<128xi32, #tpu.memory_space<vmem>>) semaphore(%arg17 : memref<!tpu.dma_semaphore, #tpu.memory_space<semaphore_mem>>) {add = true}
    %multiple_of3A_73 = arith.constant 4864 : i32
    %multiple_of3A_74 = tpu.assume_multiple %multiple_of3A_73, 8 : i32
    "tpu.region"() ({
      %run_scoped3A_119 = tpu.sem_alloc : memref<!tpu.dma_semaphore, #tpu.memory_space<semaphore_mem>>
      %dma_start3A_120 = tpu.memref_slice %arg10[%multiple_of3A_74] : memref<5000xi32, #tpu.memory_space<vmem>> -> memref<128xi32, #tpu.memory_space<vmem>>
      %dma_start3A_121 = arith.constant 0 : i32
      %dma_start3A_122 = tpu.memref_slice %arg20[%dma_start3A_121] : memref<10000xf32, #tpu.memory_space<vmem_shared>> -> memref<10000xf32, #tpu.memory_space<vmem_shared>>
      tpu.enqueue_indirect_dma source(%arg13 : memref<128xf32, #tpu.memory_space<vmem>>) target(%dma_start3A_122 : memref<10000xf32, #tpu.memory_space<vmem_shared>>) offsets(%dma_start3A_120 : memref<128xi32, #tpu.memory_space<vmem>>) semaphore(%run_scoped3A_119 : memref<!tpu.dma_semaphore, #tpu.memory_space<semaphore_mem>>) {add = true}
      %dma_wait3A_123 = tpu.memref_slice %arg10[%multiple_of3A_74] : memref<5000xi32, #tpu.memory_space<vmem>> -> memref<128xi32, #tpu.memory_space<vmem>>
      %dma_wait3A_124 = arith.constant 0 : i32
      %dma_wait3A_125 = tpu.memref_slice %arg20[%dma_wait3A_124] : memref<10000xf32, #tpu.memory_space<vmem_shared>> -> memref<10000xf32, #tpu.memory_space<vmem_shared>>
      tpu.wait_indirect_dma semaphore(%run_scoped3A_119 : memref<!tpu.dma_semaphore, #tpu.memory_space<semaphore_mem>>) src(%arg13 : memref<128xf32, #tpu.memory_space<vmem>>) dst(%dma_wait3A_125 : memref<10000xf32, #tpu.memory_space<vmem_shared>>)
      tpu.yield
    }) : () -> ()
    %dma_wait3A_75 = arith.constant 0 : i32
    %dma_wait3A_76 = arith.constant 0 : i32
    %dma_wait3A_77 = tpu.memref_slice %arg12[%dma_wait3A_75, %dma_wait3A_76] : memref<128x64xf32, #tpu.memory_space<vmem>> -> memref<8x64xf32, #tpu.memory_space<vmem>>
    %dma_wait3A_78 = arith.constant 4992 : i32
    %dma_wait3A_79 = tpu.memref_slice %arg9[%dma_wait3A_78] : memref<5000xi32, #tpu.memory_space<vmem>> -> memref<8xi32, #tpu.memory_space<vmem>>
    %dma_wait3A_80 = arith.constant 0 : i32
    %dma_wait3A_81 = arith.constant 0 : i32
    %dma_wait3A_82 = tpu.memref_slice %arg2[%dma_wait3A_80, %dma_wait3A_81] : memref<10000x64xf32, #tpu.memory_space<hbm>> -> memref<10000x64xf32, #tpu.memory_space<hbm>>
    tpu.wait_indirect_dma semaphore(%arg16 : memref<!tpu.dma_semaphore, #tpu.memory_space<semaphore_mem>>) src(%dma_wait3A_82 : memref<10000x64xf32, #tpu.memory_space<hbm>>) dst(%dma_wait3A_77 : memref<8x64xf32, #tpu.memory_space<vmem>>)
    %dma_start3A_83 = arith.constant 0 : i32
    %dma_start3A_84 = arith.constant 0 : i32
    %dma_start3A_85 = tpu.memref_slice %arg12[%dma_start3A_83, %dma_start3A_84] : memref<128x64xf32, #tpu.memory_space<vmem>> -> memref<8x64xf32, #tpu.memory_space<vmem>>
    %dma_start3A_86 = arith.constant 4992 : i32
    %dma_start3A_87 = tpu.memref_slice %arg10[%dma_start3A_86] : memref<5000xi32, #tpu.memory_space<vmem>> -> memref<8xi32, #tpu.memory_space<vmem>>
    %dma_start3A_88 = arith.constant 0 : i32
    %dma_start3A_89 = arith.constant 0 : i32
    %dma_start3A_90 = tpu.memref_slice %arg19[%dma_start3A_88, %dma_start3A_89] : memref<10000x64xf32, #tpu.memory_space<vmem_shared>> -> memref<10000x64xf32, #tpu.memory_space<vmem_shared>>
    tpu.enqueue_indirect_dma source(%dma_start3A_85 : memref<8x64xf32, #tpu.memory_space<vmem>>) target(%dma_start3A_90 : memref<10000x64xf32, #tpu.memory_space<vmem_shared>>) offsets(%dma_start3A_87 : memref<8xi32, #tpu.memory_space<vmem>>) semaphore(%arg18 : memref<!tpu.dma_semaphore, #tpu.memory_space<semaphore_mem>>) {add = true}
    "tpu.region"() ({
      %run_scoped3A_119 = tpu.sem_alloc : memref<!tpu.dma_semaphore, #tpu.memory_space<semaphore_mem>>
      %dma_start3A_120 = arith.constant 0 : i32
      %dma_start3A_121 = tpu.memref_slice %arg13[%dma_start3A_120] : memref<128xf32, #tpu.memory_space<vmem>> -> memref<8xf32, #tpu.memory_space<vmem>>
      %dma_start3A_122 = arith.constant 4992 : i32
      %dma_start3A_123 = tpu.memref_slice %arg10[%dma_start3A_122] : memref<5000xi32, #tpu.memory_space<vmem>> -> memref<8xi32, #tpu.memory_space<vmem>>
      %dma_start3A_124 = arith.constant 0 : i32
      %dma_start3A_125 = tpu.memref_slice %arg20[%dma_start3A_124] : memref<10000xf32, #tpu.memory_space<vmem_shared>> -> memref<10000xf32, #tpu.memory_space<vmem_shared>>
      tpu.enqueue_indirect_dma source(%dma_start3A_121 : memref<8xf32, #tpu.memory_space<vmem>>) target(%dma_start3A_125 : memref<10000xf32, #tpu.memory_space<vmem_shared>>) offsets(%dma_start3A_123 : memref<8xi32, #tpu.memory_space<vmem>>) semaphore(%run_scoped3A_119 : memref<!tpu.dma_semaphore, #tpu.memory_space<semaphore_mem>>) {add = true}
      %dma_wait3A_126 = arith.constant 0 : i32
      %dma_wait3A_127 = tpu.memref_slice %arg13[%dma_wait3A_126] : memref<128xf32, #tpu.memory_space<vmem>> -> memref<8xf32, #tpu.memory_space<vmem>>
      %dma_wait3A_128 = arith.constant 4992 : i32
      %dma_wait3A_129 = tpu.memref_slice %arg10[%dma_wait3A_128] : memref<5000xi32, #tpu.memory_space<vmem>> -> memref<8xi32, #tpu.memory_space<vmem>>
      %dma_wait3A_130 = arith.constant 0 : i32
      %dma_wait3A_131 = tpu.memref_slice %arg20[%dma_wait3A_130] : memref<10000xf32, #tpu.memory_space<vmem_shared>> -> memref<10000xf32, #tpu.memory_space<vmem_shared>>
      tpu.wait_indirect_dma semaphore(%run_scoped3A_119 : memref<!tpu.dma_semaphore, #tpu.memory_space<semaphore_mem>>) src(%dma_wait3A_127 : memref<8xf32, #tpu.memory_space<vmem>>) dst(%dma_wait3A_131 : memref<10000xf32, #tpu.memory_space<vmem_shared>>)
      tpu.yield
    }) : () -> ()
    %multiple_of3A_91 = arith.constant 0 : i32
    %multiple_of3A_92 = tpu.assume_multiple %multiple_of3A_91, 8 : i32
    %dma_wait3A_93 = tpu.memref_slice %arg9[%multiple_of3A_92] : memref<5000xi32, #tpu.memory_space<vmem>> -> memref<128xi32, #tpu.memory_space<vmem>>
    %dma_wait3A_94 = arith.constant 0 : i32
    %dma_wait3A_95 = arith.constant 0 : i32
    %dma_wait3A_96 = tpu.memref_slice %arg2[%dma_wait3A_94, %dma_wait3A_95] : memref<10000x64xf32, #tpu.memory_space<hbm>> -> memref<10000x64xf32, #tpu.memory_space<hbm>>
    tpu.wait_indirect_dma semaphore(%arg17 : memref<!tpu.dma_semaphore, #tpu.memory_space<semaphore_mem>>) src(%dma_wait3A_96 : memref<10000x64xf32, #tpu.memory_space<hbm>>) dst(%arg11 : memref<128x64xf32, #tpu.memory_space<vmem>>)
    %dma_wait3A_97 = arith.constant 0 : i32
    %dma_wait3A_98 = arith.constant 0 : i32
    %dma_wait3A_99 = tpu.memref_slice %arg12[%dma_wait3A_97, %dma_wait3A_98] : memref<128x64xf32, #tpu.memory_space<vmem>> -> memref<8x64xf32, #tpu.memory_space<vmem>>
    %dma_wait3A_100 = arith.constant 4992 : i32
    %dma_wait3A_101 = tpu.memref_slice %arg9[%dma_wait3A_100] : memref<5000xi32, #tpu.memory_space<vmem>> -> memref<8xi32, #tpu.memory_space<vmem>>
    %dma_wait3A_102 = arith.constant 0 : i32
    %dma_wait3A_103 = arith.constant 0 : i32
    %dma_wait3A_104 = tpu.memref_slice %arg2[%dma_wait3A_102, %dma_wait3A_103] : memref<10000x64xf32, #tpu.memory_space<hbm>> -> memref<10000x64xf32, #tpu.memory_space<hbm>>
    tpu.wait_indirect_dma semaphore(%arg18 : memref<!tpu.dma_semaphore, #tpu.memory_space<semaphore_mem>>) src(%dma_wait3A_104 : memref<10000x64xf32, #tpu.memory_space<hbm>>) dst(%dma_wait3A_99 : memref<8x64xf32, #tpu.memory_space<vmem>>)
    %barrier3A_105 = arith.constant 0 : index
    tpu.barrier barrier_id(%barrier3A_105)
    %mul3A_106 = arith.constant 10000 : i32
    %mul3A_107 = arith.muli %arg0, %mul3A_106 : i32
    %multiple_of3A_108 = tpu.assume_multiple %mul3A_107, 8 : i32
    %lt3A_109 = arith.constant 15 : i32
    %lt3A_110 = arith.cmpi slt, %arg1, %lt3A_109 : i32
    %convert_element_type3A_111 = arith.extui %lt3A_110 : i1 to i32
    %cond3A_112 = arith.constant 0 : i32
    %cond3A_113 = arith.cmpi ne, %convert_element_type3A_111, %cond3A_112 : i32
    scf.if %cond3A_113 {
      %mul3A_119 = arith.constant 640 : i32
      %mul3A_120 = arith.muli %arg1, %mul3A_119 : i32
      %multiple_of3A_121 = tpu.assume_multiple %mul3A_120, 8 : i32
      "tpu.region"() ({
        %run_scoped3A_123 = tpu.sem_alloc : memref<!tpu.dma_semaphore, #tpu.memory_space<semaphore_mem>>
        %dma_start3A_124 = arith.constant 0 : i32
        %dma_start3A_125 = arith.constant 0 : i32
        %dma_start3A_126 = tpu.memref_slice %arg7[%arg0, %dma_start3A_124, %dma_start3A_125] : memref<2x10000x64xf32, #tpu.memory_space<hbm>> -> memref<1x10000x64xf32, #tpu.memory_space<hbm>>
        %dma_start3A_127 = tpu.memref_squeeze %dma_start3A_126 : memref<1x10000x64xf32, #tpu.memory_space<hbm>> -> memref<10000x64xf32, #tpu.memory_space<hbm>>
        %dma_start3A_128 = arith.constant 0 : i32
        %dma_start3A_129 = tpu.memref_slice %dma_start3A_127[%multiple_of3A_121, %dma_start3A_128] : memref<10000x64xf32, #tpu.memory_space<hbm>> -> memref<640x64xf32, #tpu.memory_space<hbm>>
        %dma_start3A_130 = arith.constant 0 : i32
        %dma_start3A_131 = tpu.memref_slice %arg19[%multiple_of3A_121, %dma_start3A_130] : memref<10000x64xf32, #tpu.memory_space<vmem_shared>> -> memref<640x64xf32, #tpu.memory_space<vmem_shared>>
        tpu.enqueue_dma source(%dma_start3A_131 : memref<640x64xf32, #tpu.memory_space<vmem_shared>>) target(%dma_start3A_129 : memref<640x64xf32, #tpu.memory_space<hbm>>) target_semaphore(%run_scoped3A_123 : memref<!tpu.dma_semaphore, #tpu.memory_space<semaphore_mem>>)
        %dma_wait3A_132 = arith.constant 0 : i32
        %dma_wait3A_133 = arith.constant 0 : i32
        %dma_wait3A_134 = tpu.memref_slice %arg7[%arg0, %dma_wait3A_132, %dma_wait3A_133] : memref<2x10000x64xf32, #tpu.memory_space<hbm>> -> memref<1x10000x64xf32, #tpu.memory_space<hbm>>
        %dma_wait3A_135 = tpu.memref_squeeze %dma_wait3A_134 : memref<1x10000x64xf32, #tpu.memory_space<hbm>> -> memref<10000x64xf32, #tpu.memory_space<hbm>>
        %dma_wait3A_136 = arith.constant 0 : i32
        %dma_wait3A_137 = tpu.memref_slice %dma_wait3A_135[%multiple_of3A_121, %dma_wait3A_136] : memref<10000x64xf32, #tpu.memory_space<hbm>> -> memref<640x64xf32, #tpu.memory_space<hbm>>
        %dma_wait3A_138 = arith.constant 0 : i32
        %dma_wait3A_139 = tpu.memref_slice %arg19[%multiple_of3A_121, %dma_wait3A_138] : memref<10000x64xf32, #tpu.memory_space<vmem_shared>> -> memref<640x64xf32, #tpu.memory_space<vmem_shared>>
        tpu.wait_dma2 semaphore(%run_scoped3A_123 : memref<!tpu.dma_semaphore, #tpu.memory_space<semaphore_mem>>) src(%dma_wait3A_139 : memref<640x64xf32, #tpu.memory_space<vmem_shared>>) dst(%dma_wait3A_137 : memref<640x64xf32, #tpu.memory_space<hbm>>)
        tpu.yield
      }) : () -> ()
      %add3A_122 = arith.addi %multiple_of3A_108, %multiple_of3A_121 : i32
      "tpu.region"() ({
        %run_scoped3A_123 = tpu.sem_alloc : memref<!tpu.dma_semaphore, #tpu.memory_space<semaphore_mem>>
        %dma_start3A_124 = arith.constant 0 : i32
        %dma_start3A_125 = tpu.memref_slice %arg14[%dma_start3A_124] : memref<640xf32, #tpu.memory_space<vmem>> -> memref<640xf32, #tpu.memory_space<vmem>>
        %dma_start3A_126 = tpu.memref_slice %arg20[%multiple_of3A_121] : memref<10000xf32, #tpu.memory_space<vmem_shared>> -> memref<640xf32, #tpu.memory_space<vmem_shared>>
        %dma_start3A_127 = arith.constant 0 : i32
        %dma_start3A_128 = tpu.memref_slice %arg14[%dma_start3A_127] : memref<640xf32, #tpu.memory_space<vmem>> -> memref<640xf32, #tpu.memory_space<vmem>>
        %dma_start3A_129 = tpu.memref_slice %arg20[%multiple_of3A_121] : memref<10000xf32, #tpu.memory_space<vmem_shared>> -> memref<640xf32, #tpu.memory_space<vmem_shared>>
        tpu.enqueue_dma source(%dma_start3A_129 : memref<640xf32, #tpu.memory_space<vmem_shared>>) target(%dma_start3A_128 : memref<640xf32, #tpu.memory_space<vmem>>) target_semaphore(%run_scoped3A_123 : memref<!tpu.dma_semaphore, #tpu.memory_space<semaphore_mem>>)
        %dma_wait3A_130 = arith.constant 0 : i32
        %dma_wait3A_131 = tpu.memref_slice %arg14[%dma_wait3A_130] : memref<640xf32, #tpu.memory_space<vmem>> -> memref<640xf32, #tpu.memory_space<vmem>>
        %dma_wait3A_132 = tpu.memref_slice %arg20[%multiple_of3A_121] : memref<10000xf32, #tpu.memory_space<vmem_shared>> -> memref<640xf32, #tpu.memory_space<vmem_shared>>
        %dma_wait3A_133 = arith.constant 0 : i32
        %dma_wait3A_134 = tpu.memref_slice %arg14[%dma_wait3A_133] : memref<640xf32, #tpu.memory_space<vmem>> -> memref<640xf32, #tpu.memory_space<vmem>>
        %dma_wait3A_135 = tpu.memref_slice %arg20[%multiple_of3A_121] : memref<10000xf32, #tpu.memory_space<vmem_shared>> -> memref<640xf32, #tpu.memory_space<vmem_shared>>
        tpu.wait_dma2 semaphore(%run_scoped3A_123 : memref<!tpu.dma_semaphore, #tpu.memory_space<semaphore_mem>>) src(%dma_wait3A_135 : memref<640xf32, #tpu.memory_space<vmem_shared>>) dst(%dma_wait3A_134 : memref<640xf32, #tpu.memory_space<vmem>>)
        tpu.yield
      }) : () -> ()
      "tpu.region"() ({
        %run_scoped3A_123 = tpu.sem_alloc : memref<!tpu.dma_semaphore, #tpu.memory_space<semaphore_mem>>
        %dma_start3A_124 = arith.constant 0 : i32
        %dma_start3A_125 = tpu.memref_slice %arg14[%dma_start3A_124] : memref<640xf32, #tpu.memory_space<vmem>> -> memref<640xf32, #tpu.memory_space<vmem>>
        %dma_start3A_126 = tpu.memref_slice %arg8[%add3A_122] : memref<20000xf32, #tpu.memory_space<hbm>> -> memref<640xf32, #tpu.memory_space<hbm>>
        %dma_start3A_127 = tpu.memref_slice %arg8[%add3A_122] : memref<20000xf32, #tpu.memory_space<hbm>> -> memref<640xf32, #tpu.memory_space<hbm>>
        %dma_start3A_128 = arith.constant 0 : i32
        %dma_start3A_129 = tpu.memref_slice %arg14[%dma_start3A_128] : memref<640xf32, #tpu.memory_space<vmem>> -> memref<640xf32, #tpu.memory_space<vmem>>
        tpu.enqueue_dma source(%dma_start3A_129 : memref<640xf32, #tpu.memory_space<vmem>>) target(%dma_start3A_127 : memref<640xf32, #tpu.memory_space<hbm>>) target_semaphore(%run_scoped3A_123 : memref<!tpu.dma_semaphore, #tpu.memory_space<semaphore_mem>>)
        %dma_wait3A_130 = arith.constant 0 : i32
        %dma_wait3A_131 = tpu.memref_slice %arg14[%dma_wait3A_130] : memref<640xf32, #tpu.memory_space<vmem>> -> memref<640xf32, #tpu.memory_space<vmem>>
        %dma_wait3A_132 = tpu.memref_slice %arg8[%add3A_122] : memref<20000xf32, #tpu.memory_space<hbm>> -> memref<640xf32, #tpu.memory_space<hbm>>
        %dma_wait3A_133 = tpu.memref_slice %arg8[%add3A_122] : memref<20000xf32, #tpu.memory_space<hbm>> -> memref<640xf32, #tpu.memory_space<hbm>>
        %dma_wait3A_134 = arith.constant 0 : i32
        %dma_wait3A_135 = tpu.memref_slice %arg14[%dma_wait3A_134] : memref<640xf32, #tpu.memory_space<vmem>> -> memref<640xf32, #tpu.memory_space<vmem>>
        tpu.wait_dma2 semaphore(%run_scoped3A_123 : memref<!tpu.dma_semaphore, #tpu.memory_space<semaphore_mem>>) src(%dma_wait3A_135 : memref<640xf32, #tpu.memory_space<vmem>>) dst(%dma_wait3A_133 : memref<640xf32, #tpu.memory_space<hbm>>)
        tpu.yield
      }) : () -> ()
    } else {
    }
    %eq3A_114 = arith.constant 15 : i32
    %eq3A_115 = arith.cmpi eq, %arg1, %eq3A_114 : i32
    %convert_element_type3A_116 = arith.extui %eq3A_115 : i1 to i32
    %cond3A_117 = arith.constant 0 : i32
    %cond3A_118 = arith.cmpi ne, %convert_element_type3A_116, %cond3A_117 : i32
    scf.if %cond3A_118 {
      "tpu.region"() ({
        %run_scoped3A_121 = tpu.sem_alloc : memref<!tpu.dma_semaphore, #tpu.memory_space<semaphore_mem>>
        %dma_start3A_122 = arith.constant 0 : i32
        %dma_start3A_123 = arith.constant 0 : i32
        %dma_start3A_124 = tpu.memref_slice %arg7[%arg0, %dma_start3A_122, %dma_start3A_123] : memref<2x10000x64xf32, #tpu.memory_space<hbm>> -> memref<1x10000x64xf32, #tpu.memory_space<hbm>>
        %dma_start3A_125 = tpu.memref_squeeze %dma_start3A_124 : memref<1x10000x64xf32, #tpu.memory_space<hbm>> -> memref<10000x64xf32, #tpu.memory_space<hbm>>
        %dma_start3A_126 = arith.constant 9600 : i32
        %dma_start3A_127 = arith.constant 0 : i32
        %dma_start3A_128 = tpu.memref_slice %dma_start3A_125[%dma_start3A_126, %dma_start3A_127] : memref<10000x64xf32, #tpu.memory_space<hbm>> -> memref<400x64xf32, #tpu.memory_space<hbm>>
        %dma_start3A_129 = arith.constant 9600 : i32
        %dma_start3A_130 = arith.constant 0 : i32
        %dma_start3A_131 = tpu.memref_slice %arg19[%dma_start3A_129, %dma_start3A_130] : memref<10000x64xf32, #tpu.memory_space<vmem_shared>> -> memref<400x64xf32, #tpu.memory_space<vmem_shared>>
        tpu.enqueue_dma source(%dma_start3A_131 : memref<400x64xf32, #tpu.memory_space<vmem_shared>>) target(%dma_start3A_128 : memref<400x64xf32, #tpu.memory_space<hbm>>) target_semaphore(%run_scoped3A_121 : memref<!tpu.dma_semaphore, #tpu.memory_space<semaphore_mem>>)
        %dma_wait3A_132 = arith.constant 0 : i32
        %dma_wait3A_133 = arith.constant 0 : i32
        %dma_wait3A_134 = tpu.memref_slice %arg7[%arg0, %dma_wait3A_132, %dma_wait3A_133] : memref<2x10000x64xf32, #tpu.memory_space<hbm>> -> memref<1x10000x64xf32, #tpu.memory_space<hbm>>
        %dma_wait3A_135 = tpu.memref_squeeze %dma_wait3A_134 : memref<1x10000x64xf32, #tpu.memory_space<hbm>> -> memref<10000x64xf32, #tpu.memory_space<hbm>>
        %dma_wait3A_136 = arith.constant 9600 : i32
        %dma_wait3A_137 = arith.constant 0 : i32
        %dma_wait3A_138 = tpu.memref_slice %dma_wait3A_135[%dma_wait3A_136, %dma_wait3A_137] : memref<10000x64xf32, #tpu.memory_space<hbm>> -> memref<400x64xf32, #tpu.memory_space<hbm>>
        %dma_wait3A_139 = arith.constant 9600 : i32
        %dma_wait3A_140 = arith.constant 0 : i32
        %dma_wait3A_141 = tpu.memref_slice %arg19[%dma_wait3A_139, %dma_wait3A_140] : memref<10000x64xf32, #tpu.memory_space<vmem_shared>> -> memref<400x64xf32, #tpu.memory_space<vmem_shared>>
        tpu.wait_dma2 semaphore(%run_scoped3A_121 : memref<!tpu.dma_semaphore, #tpu.memory_space<semaphore_mem>>) src(%dma_wait3A_141 : memref<400x64xf32, #tpu.memory_space<vmem_shared>>) dst(%dma_wait3A_138 : memref<400x64xf32, #tpu.memory_space<hbm>>)
        tpu.yield
      }) : () -> ()
      %add3A_119 = arith.constant 9600 : i32
      %add3A_120 = arith.addi %multiple_of3A_108, %add3A_119 : i32
      "tpu.region"() ({
        %run_scoped3A_121 = tpu.sem_alloc : memref<!tpu.dma_semaphore, #tpu.memory_space<semaphore_mem>>
        %dma_start3A_122 = arith.constant 0 : i32
        %dma_start3A_123 = tpu.memref_slice %arg14[%dma_start3A_122] : memref<640xf32, #tpu.memory_space<vmem>> -> memref<400xf32, #tpu.memory_space<vmem>>
        %dma_start3A_124 = arith.constant 9600 : i32
        %dma_start3A_125 = tpu.memref_slice %arg20[%dma_start3A_124] : memref<10000xf32, #tpu.memory_space<vmem_shared>> -> memref<400xf32, #tpu.memory_space<vmem_shared>>
        %dma_start3A_126 = arith.constant 0 : i32
        %dma_start3A_127 = tpu.memref_slice %arg14[%dma_start3A_126] : memref<640xf32, #tpu.memory_space<vmem>> -> memref<400xf32, #tpu.memory_space<vmem>>
        %dma_start3A_128 = arith.constant 9600 : i32
        %dma_start3A_129 = tpu.memref_slice %arg20[%dma_start3A_128] : memref<10000xf32, #tpu.memory_space<vmem_shared>> -> memref<400xf32, #tpu.memory_space<vmem_shared>>
        tpu.enqueue_dma source(%dma_start3A_129 : memref<400xf32, #tpu.memory_space<vmem_shared>>) target(%dma_start3A_127 : memref<400xf32, #tpu.memory_space<vmem>>) target_semaphore(%run_scoped3A_121 : memref<!tpu.dma_semaphore, #tpu.memory_space<semaphore_mem>>)
        %dma_wait3A_130 = arith.constant 0 : i32
        %dma_wait3A_131 = tpu.memref_slice %arg14[%dma_wait3A_130] : memref<640xf32, #tpu.memory_space<vmem>> -> memref<400xf32, #tpu.memory_space<vmem>>
        %dma_wait3A_132 = arith.constant 9600 : i32
        %dma_wait3A_133 = tpu.memref_slice %arg20[%dma_wait3A_132] : memref<10000xf32, #tpu.memory_space<vmem_shared>> -> memref<400xf32, #tpu.memory_space<vmem_shared>>
        %dma_wait3A_134 = arith.constant 0 : i32
        %dma_wait3A_135 = tpu.memref_slice %arg14[%dma_wait3A_134] : memref<640xf32, #tpu.memory_space<vmem>> -> memref<400xf32, #tpu.memory_space<vmem>>
        %dma_wait3A_136 = arith.constant 9600 : i32
        %dma_wait3A_137 = tpu.memref_slice %arg20[%dma_wait3A_136] : memref<10000xf32, #tpu.memory_space<vmem_shared>> -> memref<400xf32, #tpu.memory_space<vmem_shared>>
        tpu.wait_dma2 semaphore(%run_scoped3A_121 : memref<!tpu.dma_semaphore, #tpu.memory_space<semaphore_mem>>) src(%dma_wait3A_137 : memref<400xf32, #tpu.memory_space<vmem_shared>>) dst(%dma_wait3A_135 : memref<400xf32, #tpu.memory_space<vmem>>)
        tpu.yield
      }) : () -> ()
      "tpu.region"() ({
        %run_scoped3A_121 = tpu.sem_alloc : memref<!tpu.dma_semaphore, #tpu.memory_space<semaphore_mem>>
        %dma_start3A_122 = arith.constant 0 : i32
        %dma_start3A_123 = tpu.memref_slice %arg14[%dma_start3A_122] : memref<640xf32, #tpu.memory_space<vmem>> -> memref<400xf32, #tpu.memory_space<vmem>>
        %dma_start3A_124 = tpu.memref_slice %arg8[%add3A_120] : memref<20000xf32, #tpu.memory_space<hbm>> -> memref<400xf32, #tpu.memory_space<hbm>>
        %dma_start3A_125 = tpu.memref_slice %arg8[%add3A_120] : memref<20000xf32, #tpu.memory_space<hbm>> -> memref<400xf32, #tpu.memory_space<hbm>>
        %dma_start3A_126 = arith.constant 0 : i32
        %dma_start3A_127 = tpu.memref_slice %arg14[%dma_start3A_126] : memref<640xf32, #tpu.memory_space<vmem>> -> memref<400xf32, #tpu.memory_space<vmem>>
        tpu.enqueue_dma source(%dma_start3A_127 : memref<400xf32, #tpu.memory_space<vmem>>) target(%dma_start3A_125 : memref<400xf32, #tpu.memory_space<hbm>>) target_semaphore(%run_scoped3A_121 : memref<!tpu.dma_semaphore, #tpu.memory_space<semaphore_mem>>)
        %dma_wait3A_128 = arith.constant 0 : i32
        %dma_wait3A_129 = tpu.memref_slice %arg14[%dma_wait3A_128] : memref<640xf32, #tpu.memory_space<vmem>> -> memref<400xf32, #tpu.memory_space<vmem>>
        %dma_wait3A_130 = tpu.memref_slice %arg8[%add3A_120] : memref<20000xf32, #tpu.memory_space<hbm>> -> memref<400xf32, #tpu.memory_space<hbm>>
        %dma_wait3A_131 = tpu.memref_slice %arg8[%add3A_120] : memref<20000xf32, #tpu.memory_space<hbm>> -> memref<400xf32, #tpu.memory_space<hbm>>
        %dma_wait3A_132 = arith.constant 0 : i32
        %dma_wait3A_133 = tpu.memref_slice %arg14[%dma_wait3A_132] : memref<640xf32, #tpu.memory_space<vmem>> -> memref<400xf32, #tpu.memory_space<vmem>>
        tpu.wait_dma2 semaphore(%run_scoped3A_121 : memref<!tpu.dma_semaphore, #tpu.memory_space<semaphore_mem>>) src(%dma_wait3A_133 : memref<400xf32, #tpu.memory_space<vmem>>) dst(%dma_wait3A_131 : memref<400xf32, #tpu.memory_space<hbm>>)
        tpu.yield
      }) : () -> ()
    } else {
    }
    return
  }
}

#map = affine_map<(d0, d1) -> (0, 0)>
#map1 = affine_map<(d0, d1) -> (0, 0, 0)>
module attributes {stable_mosaic.version = 14 : i64} {
  func.func @_sc_body(%arg0: i32, %arg1: i32, %arg2: memref<10000x64xf32, #tpu.memory_space<hbm>>, %arg3: memref<2x160000xi32, #tpu.memory_space<hbm>>, %arg4: memref<640x64xf32, #tpu.memory_space<hbm>>, %arg5: memref<2x10000x64xf32, #tpu.memory_space<hbm>>, %arg6: memref<5000xi32, #tpu.memory_space<vmem>>, %arg7: memref<5000xi32, #tpu.memory_space<vmem>>, %arg8: memref<128x64xf32, #tpu.memory_space<vmem>>, %arg9: memref<128x64xf32, #tpu.memory_space<vmem>>, %arg10: memref<!tpu.dma_semaphore, #tpu.memory_space<semaphore_mem>>, %arg11: memref<!tpu.dma_semaphore, #tpu.memory_space<semaphore_mem>>, %arg12: memref<!tpu.dma_semaphore, #tpu.memory_space<semaphore_mem>>, %arg13: memref<!tpu.dma_semaphore, #tpu.memory_space<semaphore_mem>>, %arg14: memref<10000x64xf32, #tpu.memory_space<vmem_shared>>) attributes {dimension_semantics = [#tpu.dimension_semantics<core_parallel>, #tpu.dimension_semantics<subcore_parallel>], iteration_bounds = array<i64: 2, 16>, scalar_prefetch = 0 : i64, scratch_operands = 9 : i64, tpu.core_type = #tpu.core_type<sc_vector_subcore>, window_params = [{transform_indices = #map}, {transform_indices = #map}, {transform_indices = #map}, {transform_indices = #map1}]} {
    %mul3A = arith.constant 16 : i32
    %mul3A_0 = arith.muli %arg0, %mul3A : i32
    %add3A = arith.addi %mul3A_0, %arg1 : i32
    %lt3A = arith.constant 15 : i32
    %lt3A_1 = arith.cmpi slt, %arg1, %lt3A : i32
    %convert_element_type3A = arith.extui %lt3A_1 : i1 to i32
    %cond3A = arith.constant 0 : i32
    %cond3A_2 = arith.cmpi ne, %convert_element_type3A, %cond3A : i32
    scf.if %cond3A_2 {
      %mul3A_104 = arith.constant 640 : i32
      %mul3A_105 = arith.muli %arg1, %mul3A_104 : i32
      %multiple_of3A_106 = tpu.assume_multiple %mul3A_105, 8 : i32
      "tpu.region"() ({
        %run_scoped3A_107 = tpu.sem_alloc : memref<!tpu.dma_semaphore, #tpu.memory_space<semaphore_mem>>
        %dma_start3A_108 = arith.constant 0 : i32
        %dma_start3A_109 = tpu.memref_slice %arg14[%multiple_of3A_106, %dma_start3A_108] : memref<10000x64xf32, #tpu.memory_space<vmem_shared>> -> memref<640x64xf32, #tpu.memory_space<vmem_shared>>
        tpu.enqueue_dma source(%arg4 : memref<640x64xf32, #tpu.memory_space<hbm>>) target(%dma_start3A_109 : memref<640x64xf32, #tpu.memory_space<vmem_shared>>) target_semaphore(%run_scoped3A_107 : memref<!tpu.dma_semaphore, #tpu.memory_space<semaphore_mem>>)
        %dma_wait3A_110 = arith.constant 0 : i32
        %dma_wait3A_111 = tpu.memref_slice %arg14[%multiple_of3A_106, %dma_wait3A_110] : memref<10000x64xf32, #tpu.memory_space<vmem_shared>> -> memref<640x64xf32, #tpu.memory_space<vmem_shared>>
        tpu.wait_dma2 semaphore(%run_scoped3A_107 : memref<!tpu.dma_semaphore, #tpu.memory_space<semaphore_mem>>) src(%arg4 : memref<640x64xf32, #tpu.memory_space<hbm>>) dst(%dma_wait3A_111 : memref<640x64xf32, #tpu.memory_space<vmem_shared>>)
        tpu.yield
      }) : () -> ()
    } else {
    }
    %eq3A = arith.constant 15 : i32
    %eq3A_3 = arith.cmpi eq, %arg1, %eq3A : i32
    %convert_element_type3A_4 = arith.extui %eq3A_3 : i1 to i32
    %cond3A_5 = arith.constant 0 : i32
    %cond3A_6 = arith.cmpi ne, %convert_element_type3A_4, %cond3A_5 : i32
    scf.if %cond3A_6 {
      "tpu.region"() ({
        %run_scoped3A_104 = tpu.sem_alloc : memref<!tpu.dma_semaphore, #tpu.memory_space<semaphore_mem>>
        %dma_start3A_105 = arith.constant 9600 : i32
        %dma_start3A_106 = arith.constant 0 : i32
        %dma_start3A_107 = tpu.memref_slice %arg14[%dma_start3A_105, %dma_start3A_106] : memref<10000x64xf32, #tpu.memory_space<vmem_shared>> -> memref<400x64xf32, #tpu.memory_space<vmem_shared>>
        %dma_start3A_108 = arith.constant 0 : i32
        %dma_start3A_109 = arith.constant 0 : i32
        %dma_start3A_110 = tpu.memref_slice %arg4[%dma_start3A_108, %dma_start3A_109] : memref<640x64xf32, #tpu.memory_space<hbm>> -> memref<400x64xf32, #tpu.memory_space<hbm>>
        tpu.enqueue_dma source(%dma_start3A_110 : memref<400x64xf32, #tpu.memory_space<hbm>>) target(%dma_start3A_107 : memref<400x64xf32, #tpu.memory_space<vmem_shared>>) target_semaphore(%run_scoped3A_104 : memref<!tpu.dma_semaphore, #tpu.memory_space<semaphore_mem>>)
        %dma_wait3A_111 = arith.constant 9600 : i32
        %dma_wait3A_112 = arith.constant 0 : i32
        %dma_wait3A_113 = tpu.memref_slice %arg14[%dma_wait3A_111, %dma_wait3A_112] : memref<10000x64xf32, #tpu.memory_space<vmem_shared>> -> memref<400x64xf32, #tpu.memory_space<vmem_shared>>
        %dma_wait3A_114 = arith.constant 0 : i32
        %dma_wait3A_115 = arith.constant 0 : i32
        %dma_wait3A_116 = tpu.memref_slice %arg4[%dma_wait3A_114, %dma_wait3A_115] : memref<640x64xf32, #tpu.memory_space<hbm>> -> memref<400x64xf32, #tpu.memory_space<hbm>>
        tpu.wait_dma2 semaphore(%run_scoped3A_104 : memref<!tpu.dma_semaphore, #tpu.memory_space<semaphore_mem>>) src(%dma_wait3A_116 : memref<400x64xf32, #tpu.memory_space<hbm>>) dst(%dma_wait3A_113 : memref<400x64xf32, #tpu.memory_space<vmem_shared>>)
        tpu.yield
      }) : () -> ()
    } else {
    }
    %mul3A_7 = arith.constant 5000 : i32
    %mul3A_8 = arith.muli %add3A, %mul3A_7 : i32
    %multiple_of3A = tpu.assume_multiple %mul3A_8, 8 : i32
    %run_scoped3A = arith.constant 0 : i32
    "tpu.region"() ({
      %run_scoped3A_104 = tpu.sem_alloc : memref<!tpu.dma_semaphore, #tpu.memory_space<semaphore_mem>>
      %dma_start3A_105 = arith.constant 0 : i32
      %dma_start3A_106 = tpu.memref_slice %arg3[%run_scoped3A, %dma_start3A_105] : memref<2x160000xi32, #tpu.memory_space<hbm>> -> memref<1x160000xi32, #tpu.memory_space<hbm>>
      %dma_start3A_107 = tpu.memref_squeeze %dma_start3A_106 : memref<1x160000xi32, #tpu.memory_space<hbm>> -> memref<160000xi32, #tpu.memory_space<hbm>>
      %dma_start3A_108 = tpu.memref_slice %dma_start3A_107[%multiple_of3A] : memref<160000xi32, #tpu.memory_space<hbm>> -> memref<5000xi32, #tpu.memory_space<hbm>>
      %dma_start3A_109 = arith.constant 0 : i32
      %dma_start3A_110 = tpu.memref_slice %arg3[%run_scoped3A, %dma_start3A_109] : memref<2x160000xi32, #tpu.memory_space<hbm>> -> memref<1x160000xi32, #tpu.memory_space<hbm>>
      %dma_start3A_111 = tpu.memref_squeeze %dma_start3A_110 : memref<1x160000xi32, #tpu.memory_space<hbm>> -> memref<160000xi32, #tpu.memory_space<hbm>>
      %dma_start3A_112 = tpu.memref_slice %dma_start3A_111[%multiple_of3A] : memref<160000xi32, #tpu.memory_space<hbm>> -> memref<5000xi32, #tpu.memory_space<hbm>>
      tpu.enqueue_dma source(%dma_start3A_112 : memref<5000xi32, #tpu.memory_space<hbm>>) target(%arg6 : memref<5000xi32, #tpu.memory_space<vmem>>) target_semaphore(%run_scoped3A_104 : memref<!tpu.dma_semaphore, #tpu.memory_space<semaphore_mem>>)
      %dma_wait3A_113 = arith.constant 0 : i32
      %dma_wait3A_114 = tpu.memref_slice %arg3[%run_scoped3A, %dma_wait3A_113] : memref<2x160000xi32, #tpu.memory_space<hbm>> -> memref<1x160000xi32, #tpu.memory_space<hbm>>
      %dma_wait3A_115 = tpu.memref_squeeze %dma_wait3A_114 : memref<1x160000xi32, #tpu.memory_space<hbm>> -> memref<160000xi32, #tpu.memory_space<hbm>>
      %dma_wait3A_116 = tpu.memref_slice %dma_wait3A_115[%multiple_of3A] : memref<160000xi32, #tpu.memory_space<hbm>> -> memref<5000xi32, #tpu.memory_space<hbm>>
      %dma_wait3A_117 = arith.constant 0 : i32
      %dma_wait3A_118 = tpu.memref_slice %arg3[%run_scoped3A, %dma_wait3A_117] : memref<2x160000xi32, #tpu.memory_space<hbm>> -> memref<1x160000xi32, #tpu.memory_space<hbm>>
      %dma_wait3A_119 = tpu.memref_squeeze %dma_wait3A_118 : memref<1x160000xi32, #tpu.memory_space<hbm>> -> memref<160000xi32, #tpu.memory_space<hbm>>
      %dma_wait3A_120 = tpu.memref_slice %dma_wait3A_119[%multiple_of3A] : memref<160000xi32, #tpu.memory_space<hbm>> -> memref<5000xi32, #tpu.memory_space<hbm>>
      tpu.wait_dma2 semaphore(%run_scoped3A_104 : memref<!tpu.dma_semaphore, #tpu.memory_space<semaphore_mem>>) src(%dma_wait3A_120 : memref<5000xi32, #tpu.memory_space<hbm>>) dst(%arg6 : memref<5000xi32, #tpu.memory_space<vmem>>)
      tpu.yield
    }) : () -> ()
    %run_scoped3A_9 = arith.constant 1 : i32
    "tpu.region"() ({
      %run_scoped3A_104 = tpu.sem_alloc : memref<!tpu.dma_semaphore, #tpu.memory_space<semaphore_mem>>
      %dma_start3A_105 = arith.constant 0 : i32
      %dma_start3A_106 = tpu.memref_slice %arg3[%run_scoped3A_9, %dma_start3A_105] : memref<2x160000xi32, #tpu.memory_space<hbm>> -> memref<1x160000xi32, #tpu.memory_space<hbm>>
      %dma_start3A_107 = tpu.memref_squeeze %dma_start3A_106 : memref<1x160000xi32, #tpu.memory_space<hbm>> -> memref<160000xi32, #tpu.memory_space<hbm>>
      %dma_start3A_108 = tpu.memref_slice %dma_start3A_107[%multiple_of3A] : memref<160000xi32, #tpu.memory_space<hbm>> -> memref<5000xi32, #tpu.memory_space<hbm>>
      %dma_start3A_109 = arith.constant 0 : i32
      %dma_start3A_110 = tpu.memref_slice %arg3[%run_scoped3A_9, %dma_start3A_109] : memref<2x160000xi32, #tpu.memory_space<hbm>> -> memref<1x160000xi32, #tpu.memory_space<hbm>>
      %dma_start3A_111 = tpu.memref_squeeze %dma_start3A_110 : memref<1x160000xi32, #tpu.memory_space<hbm>> -> memref<160000xi32, #tpu.memory_space<hbm>>
      %dma_start3A_112 = tpu.memref_slice %dma_start3A_111[%multiple_of3A] : memref<160000xi32, #tpu.memory_space<hbm>> -> memref<5000xi32, #tpu.memory_space<hbm>>
      tpu.enqueue_dma source(%dma_start3A_112 : memref<5000xi32, #tpu.memory_space<hbm>>) target(%arg7 : memref<5000xi32, #tpu.memory_space<vmem>>) target_semaphore(%run_scoped3A_104 : memref<!tpu.dma_semaphore, #tpu.memory_space<semaphore_mem>>)
      %dma_wait3A_113 = arith.constant 0 : i32
      %dma_wait3A_114 = tpu.memref_slice %arg3[%run_scoped3A_9, %dma_wait3A_113] : memref<2x160000xi32, #tpu.memory_space<hbm>> -> memref<1x160000xi32, #tpu.memory_space<hbm>>
      %dma_wait3A_115 = tpu.memref_squeeze %dma_wait3A_114 : memref<1x160000xi32, #tpu.memory_space<hbm>> -> memref<160000xi32, #tpu.memory_space<hbm>>
      %dma_wait3A_116 = tpu.memref_slice %dma_wait3A_115[%multiple_of3A] : memref<160000xi32, #tpu.memory_space<hbm>> -> memref<5000xi32, #tpu.memory_space<hbm>>
      %dma_wait3A_117 = arith.constant 0 : i32
      %dma_wait3A_118 = tpu.memref_slice %arg3[%run_scoped3A_9, %dma_wait3A_117] : memref<2x160000xi32, #tpu.memory_space<hbm>> -> memref<1x160000xi32, #tpu.memory_space<hbm>>
      %dma_wait3A_119 = tpu.memref_squeeze %dma_wait3A_118 : memref<1x160000xi32, #tpu.memory_space<hbm>> -> memref<160000xi32, #tpu.memory_space<hbm>>
      %dma_wait3A_120 = tpu.memref_slice %dma_wait3A_119[%multiple_of3A] : memref<160000xi32, #tpu.memory_space<hbm>> -> memref<5000xi32, #tpu.memory_space<hbm>>
      tpu.wait_dma2 semaphore(%run_scoped3A_104 : memref<!tpu.dma_semaphore, #tpu.memory_space<semaphore_mem>>) src(%dma_wait3A_120 : memref<5000xi32, #tpu.memory_space<hbm>>) dst(%arg7 : memref<5000xi32, #tpu.memory_space<vmem>>)
      tpu.yield
    }) : () -> ()
    %barrier3A = arith.constant 0 : index
    tpu.barrier barrier_id(%barrier3A)
    %multiple_of3A_10 = arith.constant 0 : i32
    %multiple_of3A_11 = tpu.assume_multiple %multiple_of3A_10, 8 : i32
    %dma_start3A = tpu.memref_slice %arg6[%multiple_of3A_11] : memref<5000xi32, #tpu.memory_space<vmem>> -> memref<128xi32, #tpu.memory_space<vmem>>
    %dma_start3A_12 = arith.constant 0 : i32
    %dma_start3A_13 = arith.constant 0 : i32
    %dma_start3A_14 = tpu.memref_slice %arg2[%dma_start3A_12, %dma_start3A_13] : memref<10000x64xf32, #tpu.memory_space<hbm>> -> memref<10000x64xf32, #tpu.memory_space<hbm>>
    tpu.enqueue_indirect_dma source(%dma_start3A_14 : memref<10000x64xf32, #tpu.memory_space<hbm>>) target(%arg8 : memref<128x64xf32, #tpu.memory_space<vmem>>) offsets(%dma_start3A : memref<128xi32, #tpu.memory_space<vmem>>) semaphore(%arg10 : memref<!tpu.dma_semaphore, #tpu.memory_space<semaphore_mem>>)
    %multiple_of3A_15 = arith.constant 128 : i32
    %multiple_of3A_16 = tpu.assume_multiple %multiple_of3A_15, 8 : i32
    %dma_start3A_17 = tpu.memref_slice %arg6[%multiple_of3A_16] : memref<5000xi32, #tpu.memory_space<vmem>> -> memref<128xi32, #tpu.memory_space<vmem>>
    %dma_start3A_18 = arith.constant 0 : i32
    %dma_start3A_19 = arith.constant 0 : i32
    %dma_start3A_20 = tpu.memref_slice %arg2[%dma_start3A_18, %dma_start3A_19] : memref<10000x64xf32, #tpu.memory_space<hbm>> -> memref<10000x64xf32, #tpu.memory_space<hbm>>
    tpu.enqueue_indirect_dma source(%dma_start3A_20 : memref<10000x64xf32, #tpu.memory_space<hbm>>) target(%arg9 : memref<128x64xf32, #tpu.memory_space<vmem>>) offsets(%dma_start3A_17 : memref<128xi32, #tpu.memory_space<vmem>>) semaphore(%arg11 : memref<!tpu.dma_semaphore, #tpu.memory_space<semaphore_mem>>)
    %scan3A = arith.constant 0 : i32
    %scan3A_21 = arith.constant 0 : i32
    %scan3A_22 = arith.constant 19 : i32
    %scan3A_23 = arith.addi %scan3A_21, %scan3A_22 : i32
    %scan3A_24 = arith.constant 1 : i32
    scf.for %scan3A_104 = %scan3A_21 to %scan3A_23 step %scan3A_24  : i32 {
      %multiple_of3A_105 = arith.constant 0 : i32
      %multiple_of3A_106 = tpu.assume_multiple %multiple_of3A_105, 8 : i32
      %dma_wait3A_107 = tpu.memref_slice %arg6[%multiple_of3A_106] : memref<5000xi32, #tpu.memory_space<vmem>> -> memref<128xi32, #tpu.memory_space<vmem>>
      %dma_wait3A_108 = arith.constant 0 : i32
      %dma_wait3A_109 = arith.constant 0 : i32
      %dma_wait3A_110 = tpu.memref_slice %arg2[%dma_wait3A_108, %dma_wait3A_109] : memref<10000x64xf32, #tpu.memory_space<hbm>> -> memref<10000x64xf32, #tpu.memory_space<hbm>>
      tpu.wait_indirect_dma semaphore(%arg10 : memref<!tpu.dma_semaphore, #tpu.memory_space<semaphore_mem>>) src(%dma_wait3A_110 : memref<10000x64xf32, #tpu.memory_space<hbm>>) dst(%arg8 : memref<128x64xf32, #tpu.memory_space<vmem>>)
      %mul3A_111 = arith.constant 2 : i32
      %mul3A_112 = arith.muli %mul3A_111, %scan3A_104 : i32
      %mul3A_113 = arith.constant 128 : i32
      %mul3A_114 = arith.muli %mul3A_112, %mul3A_113 : i32
      %multiple_of3A_115 = tpu.assume_multiple %mul3A_114, 8 : i32
      %dma_start3A_116 = tpu.memref_slice %arg7[%multiple_of3A_115] : memref<5000xi32, #tpu.memory_space<vmem>> -> memref<128xi32, #tpu.memory_space<vmem>>
      %dma_start3A_117 = arith.constant 0 : i32
      %dma_start3A_118 = arith.constant 0 : i32
      %dma_start3A_119 = tpu.memref_slice %arg14[%dma_start3A_117, %dma_start3A_118] : memref<10000x64xf32, #tpu.memory_space<vmem_shared>> -> memref<10000x64xf32, #tpu.memory_space<vmem_shared>>
      tpu.enqueue_indirect_dma source(%arg8 : memref<128x64xf32, #tpu.memory_space<vmem>>) target(%dma_start3A_119 : memref<10000x64xf32, #tpu.memory_space<vmem_shared>>) offsets(%dma_start3A_116 : memref<128xi32, #tpu.memory_space<vmem>>) semaphore(%arg12 : memref<!tpu.dma_semaphore, #tpu.memory_space<semaphore_mem>>) {add = true}
      %lt3A_120 = arith.constant 18 : i32
      %lt3A_121 = arith.cmpi slt, %scan3A_104, %lt3A_120 : i32
      %convert_element_type3A_122 = arith.extui %lt3A_121 : i1 to i32
      %cond3A_123 = arith.constant 0 : i32
      %cond3A_124 = arith.cmpi ne, %convert_element_type3A_122, %cond3A_123 : i32
      scf.if %cond3A_124 {
        %multiple_of3A_147 = arith.constant 0 : i32
        %multiple_of3A_148 = tpu.assume_multiple %multiple_of3A_147, 8 : i32
        %dma_wait3A_149 = tpu.memref_slice %arg6[%multiple_of3A_148] : memref<5000xi32, #tpu.memory_space<vmem>> -> memref<128xi32, #tpu.memory_space<vmem>>
        %dma_wait3A_150 = arith.constant 0 : i32
        %dma_wait3A_151 = arith.constant 0 : i32
        %dma_wait3A_152 = tpu.memref_slice %arg2[%dma_wait3A_150, %dma_wait3A_151] : memref<10000x64xf32, #tpu.memory_space<hbm>> -> memref<10000x64xf32, #tpu.memory_space<hbm>>
        tpu.wait_indirect_dma semaphore(%arg12 : memref<!tpu.dma_semaphore, #tpu.memory_space<semaphore_mem>>) src(%dma_wait3A_152 : memref<10000x64xf32, #tpu.memory_space<hbm>>) dst(%arg8 : memref<128x64xf32, #tpu.memory_space<vmem>>)
        %mul3A_153 = arith.constant 2 : i32
        %mul3A_154 = arith.muli %mul3A_153, %scan3A_104 : i32
        %add3A_155 = arith.constant 2 : i32
        %add3A_156 = arith.addi %mul3A_154, %add3A_155 : i32
        %mul3A_157 = arith.constant 128 : i32
        %mul3A_158 = arith.muli %add3A_156, %mul3A_157 : i32
        %multiple_of3A_159 = tpu.assume_multiple %mul3A_158, 8 : i32
        %dma_start3A_160 = tpu.memref_slice %arg6[%multiple_of3A_159] : memref<5000xi32, #tpu.memory_space<vmem>> -> memref<128xi32, #tpu.memory_space<vmem>>
        %dma_start3A_161 = arith.constant 0 : i32
        %dma_start3A_162 = arith.constant 0 : i32
        %dma_start3A_163 = tpu.memref_slice %arg2[%dma_start3A_161, %dma_start3A_162] : memref<10000x64xf32, #tpu.memory_space<hbm>> -> memref<10000x64xf32, #tpu.memory_space<hbm>>
        tpu.enqueue_indirect_dma source(%dma_start3A_163 : memref<10000x64xf32, #tpu.memory_space<hbm>>) target(%arg8 : memref<128x64xf32, #tpu.memory_space<vmem>>) offsets(%dma_start3A_160 : memref<128xi32, #tpu.memory_space<vmem>>) semaphore(%arg10 : memref<!tpu.dma_semaphore, #tpu.memory_space<semaphore_mem>>)
      } else {
      }
      %multiple_of3A_125 = arith.constant 0 : i32
      %multiple_of3A_126 = tpu.assume_multiple %multiple_of3A_125, 8 : i32
      %dma_wait3A_127 = tpu.memref_slice %arg6[%multiple_of3A_126] : memref<5000xi32, #tpu.memory_space<vmem>> -> memref<128xi32, #tpu.memory_space<vmem>>
      %dma_wait3A_128 = arith.constant 0 : i32
      %dma_wait3A_129 = arith.constant 0 : i32
      %dma_wait3A_130 = tpu.memref_slice %arg2[%dma_wait3A_128, %dma_wait3A_129] : memref<10000x64xf32, #tpu.memory_space<hbm>> -> memref<10000x64xf32, #tpu.memory_space<hbm>>
      tpu.wait_indirect_dma semaphore(%arg11 : memref<!tpu.dma_semaphore, #tpu.memory_space<semaphore_mem>>) src(%dma_wait3A_130 : memref<10000x64xf32, #tpu.memory_space<hbm>>) dst(%arg9 : memref<128x64xf32, #tpu.memory_space<vmem>>)
      %mul3A_131 = arith.constant 2 : i32
      %mul3A_132 = arith.muli %mul3A_131, %scan3A_104 : i32
      %add3A_133 = arith.constant 1 : i32
      %add3A_134 = arith.addi %mul3A_132, %add3A_133 : i32
      %mul3A_135 = arith.constant 128 : i32
      %mul3A_136 = arith.muli %add3A_134, %mul3A_135 : i32
      %multiple_of3A_137 = tpu.assume_multiple %mul3A_136, 8 : i32
      %dma_start3A_138 = tpu.memref_slice %arg7[%multiple_of3A_137] : memref<5000xi32, #tpu.memory_space<vmem>> -> memref<128xi32, #tpu.memory_space<vmem>>
      %dma_start3A_139 = arith.constant 0 : i32
      %dma_start3A_140 = arith.constant 0 : i32
      %dma_start3A_141 = tpu.memref_slice %arg14[%dma_start3A_139, %dma_start3A_140] : memref<10000x64xf32, #tpu.memory_space<vmem_shared>> -> memref<10000x64xf32, #tpu.memory_space<vmem_shared>>
      tpu.enqueue_indirect_dma source(%arg9 : memref<128x64xf32, #tpu.memory_space<vmem>>) target(%dma_start3A_141 : memref<10000x64xf32, #tpu.memory_space<vmem_shared>>) offsets(%dma_start3A_138 : memref<128xi32, #tpu.memory_space<vmem>>) semaphore(%arg13 : memref<!tpu.dma_semaphore, #tpu.memory_space<semaphore_mem>>) {add = true}
      %lt3A_142 = arith.constant 18 : i32
      %lt3A_143 = arith.cmpi slt, %scan3A_104, %lt3A_142 : i32
      %convert_element_type3A_144 = arith.extui %lt3A_143 : i1 to i32
      %cond3A_145 = arith.constant 0 : i32
      %cond3A_146 = arith.cmpi ne, %convert_element_type3A_144, %cond3A_145 : i32
      scf.if %cond3A_146 {
        %multiple_of3A_147 = arith.constant 0 : i32
        %multiple_of3A_148 = tpu.assume_multiple %multiple_of3A_147, 8 : i32
        %dma_wait3A_149 = tpu.memref_slice %arg6[%multiple_of3A_148] : memref<5000xi32, #tpu.memory_space<vmem>> -> memref<128xi32, #tpu.memory_space<vmem>>
        %dma_wait3A_150 = arith.constant 0 : i32
        %dma_wait3A_151 = arith.constant 0 : i32
        %dma_wait3A_152 = tpu.memref_slice %arg2[%dma_wait3A_150, %dma_wait3A_151] : memref<10000x64xf32, #tpu.memory_space<hbm>> -> memref<10000x64xf32, #tpu.memory_space<hbm>>
        tpu.wait_indirect_dma semaphore(%arg13 : memref<!tpu.dma_semaphore, #tpu.memory_space<semaphore_mem>>) src(%dma_wait3A_152 : memref<10000x64xf32, #tpu.memory_space<hbm>>) dst(%arg9 : memref<128x64xf32, #tpu.memory_space<vmem>>)
        %mul3A_153 = arith.constant 2 : i32
        %mul3A_154 = arith.muli %mul3A_153, %scan3A_104 : i32
        %add3A_155 = arith.constant 3 : i32
        %add3A_156 = arith.addi %mul3A_154, %add3A_155 : i32
        %mul3A_157 = arith.constant 128 : i32
        %mul3A_158 = arith.muli %add3A_156, %mul3A_157 : i32
        %multiple_of3A_159 = tpu.assume_multiple %mul3A_158, 8 : i32
        %dma_start3A_160 = tpu.memref_slice %arg6[%multiple_of3A_159] : memref<5000xi32, #tpu.memory_space<vmem>> -> memref<128xi32, #tpu.memory_space<vmem>>
        %dma_start3A_161 = arith.constant 0 : i32
        %dma_start3A_162 = arith.constant 0 : i32
        %dma_start3A_163 = tpu.memref_slice %arg2[%dma_start3A_161, %dma_start3A_162] : memref<10000x64xf32, #tpu.memory_space<hbm>> -> memref<10000x64xf32, #tpu.memory_space<hbm>>
        tpu.enqueue_indirect_dma source(%dma_start3A_163 : memref<10000x64xf32, #tpu.memory_space<hbm>>) target(%arg9 : memref<128x64xf32, #tpu.memory_space<vmem>>) offsets(%dma_start3A_160 : memref<128xi32, #tpu.memory_space<vmem>>) semaphore(%arg11 : memref<!tpu.dma_semaphore, #tpu.memory_space<semaphore_mem>>)
      } else {
      }
    }
    %scan3A_25 = arith.constant 19 : i32
    %multiple_of3A_26 = arith.constant 0 : i32
    %multiple_of3A_27 = tpu.assume_multiple %multiple_of3A_26, 8 : i32
    %dma_wait3A = tpu.memref_slice %arg6[%multiple_of3A_27] : memref<5000xi32, #tpu.memory_space<vmem>> -> memref<128xi32, #tpu.memory_space<vmem>>
    %dma_wait3A_28 = arith.constant 0 : i32
    %dma_wait3A_29 = arith.constant 0 : i32
    %dma_wait3A_30 = tpu.memref_slice %arg2[%dma_wait3A_28, %dma_wait3A_29] : memref<10000x64xf32, #tpu.memory_space<hbm>> -> memref<10000x64xf32, #tpu.memory_space<hbm>>
    tpu.wait_indirect_dma semaphore(%arg12 : memref<!tpu.dma_semaphore, #tpu.memory_space<semaphore_mem>>) src(%dma_wait3A_30 : memref<10000x64xf32, #tpu.memory_space<hbm>>) dst(%arg8 : memref<128x64xf32, #tpu.memory_space<vmem>>)
    %multiple_of3A_31 = arith.constant 0 : i32
    %multiple_of3A_32 = tpu.assume_multiple %multiple_of3A_31, 8 : i32
    %dma_wait3A_33 = tpu.memref_slice %arg6[%multiple_of3A_32] : memref<5000xi32, #tpu.memory_space<vmem>> -> memref<128xi32, #tpu.memory_space<vmem>>
    %dma_wait3A_34 = arith.constant 0 : i32
    %dma_wait3A_35 = arith.constant 0 : i32
    %dma_wait3A_36 = tpu.memref_slice %arg2[%dma_wait3A_34, %dma_wait3A_35] : memref<10000x64xf32, #tpu.memory_space<hbm>> -> memref<10000x64xf32, #tpu.memory_space<hbm>>
    tpu.wait_indirect_dma semaphore(%arg13 : memref<!tpu.dma_semaphore, #tpu.memory_space<semaphore_mem>>) src(%dma_wait3A_36 : memref<10000x64xf32, #tpu.memory_space<hbm>>) dst(%arg9 : memref<128x64xf32, #tpu.memory_space<vmem>>)
    %multiple_of3A_37 = arith.constant 4864 : i32
    %multiple_of3A_38 = tpu.assume_multiple %multiple_of3A_37, 8 : i32
    %dma_start3A_39 = tpu.memref_slice %arg6[%multiple_of3A_38] : memref<5000xi32, #tpu.memory_space<vmem>> -> memref<128xi32, #tpu.memory_space<vmem>>
    %dma_start3A_40 = arith.constant 0 : i32
    %dma_start3A_41 = arith.constant 0 : i32
    %dma_start3A_42 = tpu.memref_slice %arg2[%dma_start3A_40, %dma_start3A_41] : memref<10000x64xf32, #tpu.memory_space<hbm>> -> memref<10000x64xf32, #tpu.memory_space<hbm>>
    tpu.enqueue_indirect_dma source(%dma_start3A_42 : memref<10000x64xf32, #tpu.memory_space<hbm>>) target(%arg8 : memref<128x64xf32, #tpu.memory_space<vmem>>) offsets(%dma_start3A_39 : memref<128xi32, #tpu.memory_space<vmem>>) semaphore(%arg10 : memref<!tpu.dma_semaphore, #tpu.memory_space<semaphore_mem>>)
    %dma_start3A_43 = arith.constant 0 : i32
    %dma_start3A_44 = arith.constant 0 : i32
    %dma_start3A_45 = tpu.memref_slice %arg9[%dma_start3A_43, %dma_start3A_44] : memref<128x64xf32, #tpu.memory_space<vmem>> -> memref<8x64xf32, #tpu.memory_space<vmem>>
    %dma_start3A_46 = arith.constant 4992 : i32
    %dma_start3A_47 = tpu.memref_slice %arg6[%dma_start3A_46] : memref<5000xi32, #tpu.memory_space<vmem>> -> memref<8xi32, #tpu.memory_space<vmem>>
    %dma_start3A_48 = arith.constant 0 : i32
    %dma_start3A_49 = arith.constant 0 : i32
    %dma_start3A_50 = tpu.memref_slice %arg2[%dma_start3A_48, %dma_start3A_49] : memref<10000x64xf32, #tpu.memory_space<hbm>> -> memref<10000x64xf32, #tpu.memory_space<hbm>>
    tpu.enqueue_indirect_dma source(%dma_start3A_50 : memref<10000x64xf32, #tpu.memory_space<hbm>>) target(%dma_start3A_45 : memref<8x64xf32, #tpu.memory_space<vmem>>) offsets(%dma_start3A_47 : memref<8xi32, #tpu.memory_space<vmem>>) semaphore(%arg11 : memref<!tpu.dma_semaphore, #tpu.memory_space<semaphore_mem>>)
    %multiple_of3A_51 = arith.constant 0 : i32
    %multiple_of3A_52 = tpu.assume_multiple %multiple_of3A_51, 8 : i32
    %dma_wait3A_53 = tpu.memref_slice %arg6[%multiple_of3A_52] : memref<5000xi32, #tpu.memory_space<vmem>> -> memref<128xi32, #tpu.memory_space<vmem>>
    %dma_wait3A_54 = arith.constant 0 : i32
    %dma_wait3A_55 = arith.constant 0 : i32
    %dma_wait3A_56 = tpu.memref_slice %arg2[%dma_wait3A_54, %dma_wait3A_55] : memref<10000x64xf32, #tpu.memory_space<hbm>> -> memref<10000x64xf32, #tpu.memory_space<hbm>>
    tpu.wait_indirect_dma semaphore(%arg10 : memref<!tpu.dma_semaphore, #tpu.memory_space<semaphore_mem>>) src(%dma_wait3A_56 : memref<10000x64xf32, #tpu.memory_space<hbm>>) dst(%arg8 : memref<128x64xf32, #tpu.memory_space<vmem>>)
    %multiple_of3A_57 = arith.constant 4864 : i32
    %multiple_of3A_58 = tpu.assume_multiple %multiple_of3A_57, 8 : i32
    %dma_start3A_59 = tpu.memref_slice %arg7[%multiple_of3A_58] : memref<5000xi32, #tpu.memory_space<vmem>> -> memref<128xi32, #tpu.memory_space<vmem>>
    %dma_start3A_60 = arith.constant 0 : i32
    %dma_start3A_61 = arith.constant 0 : i32
    %dma_start3A_62 = tpu.memref_slice %arg14[%dma_start3A_60, %dma_start3A_61] : memref<10000x64xf32, #tpu.memory_space<vmem_shared>> -> memref<10000x64xf32, #tpu.memory_space<vmem_shared>>
    tpu.enqueue_indirect_dma source(%arg8 : memref<128x64xf32, #tpu.memory_space<vmem>>) target(%dma_start3A_62 : memref<10000x64xf32, #tpu.memory_space<vmem_shared>>) offsets(%dma_start3A_59 : memref<128xi32, #tpu.memory_space<vmem>>) semaphore(%arg12 : memref<!tpu.dma_semaphore, #tpu.memory_space<semaphore_mem>>) {add = true}
    %dma_wait3A_63 = arith.constant 0 : i32
    %dma_wait3A_64 = arith.constant 0 : i32
    %dma_wait3A_65 = tpu.memref_slice %arg9[%dma_wait3A_63, %dma_wait3A_64] : memref<128x64xf32, #tpu.memory_space<vmem>> -> memref<8x64xf32, #tpu.memory_space<vmem>>
    %dma_wait3A_66 = arith.constant 4992 : i32
    %dma_wait3A_67 = tpu.memref_slice %arg6[%dma_wait3A_66] : memref<5000xi32, #tpu.memory_space<vmem>> -> memref<8xi32, #tpu.memory_space<vmem>>
    %dma_wait3A_68 = arith.constant 0 : i32
    %dma_wait3A_69 = arith.constant 0 : i32
    %dma_wait3A_70 = tpu.memref_slice %arg2[%dma_wait3A_68, %dma_wait3A_69] : memref<10000x64xf32, #tpu.memory_space<hbm>> -> memref<10000x64xf32, #tpu.memory_space<hbm>>
    tpu.wait_indirect_dma semaphore(%arg11 : memref<!tpu.dma_semaphore, #tpu.memory_space<semaphore_mem>>) src(%dma_wait3A_70 : memref<10000x64xf32, #tpu.memory_space<hbm>>) dst(%dma_wait3A_65 : memref<8x64xf32, #tpu.memory_space<vmem>>)
    %dma_start3A_71 = arith.constant 0 : i32
    %dma_start3A_72 = arith.constant 0 : i32
    %dma_start3A_73 = tpu.memref_slice %arg9[%dma_start3A_71, %dma_start3A_72] : memref<128x64xf32, #tpu.memory_space<vmem>> -> memref<8x64xf32, #tpu.memory_space<vmem>>
    %dma_start3A_74 = arith.constant 4992 : i32
    %dma_start3A_75 = tpu.memref_slice %arg7[%dma_start3A_74] : memref<5000xi32, #tpu.memory_space<vmem>> -> memref<8xi32, #tpu.memory_space<vmem>>
    %dma_start3A_76 = arith.constant 0 : i32
    %dma_start3A_77 = arith.constant 0 : i32
    %dma_start3A_78 = tpu.memref_slice %arg14[%dma_start3A_76, %dma_start3A_77] : memref<10000x64xf32, #tpu.memory_space<vmem_shared>> -> memref<10000x64xf32, #tpu.memory_space<vmem_shared>>
    tpu.enqueue_indirect_dma source(%dma_start3A_73 : memref<8x64xf32, #tpu.memory_space<vmem>>) target(%dma_start3A_78 : memref<10000x64xf32, #tpu.memory_space<vmem_shared>>) offsets(%dma_start3A_75 : memref<8xi32, #tpu.memory_space<vmem>>) semaphore(%arg13 : memref<!tpu.dma_semaphore, #tpu.memory_space<semaphore_mem>>) {add = true}
    %multiple_of3A_79 = arith.constant 0 : i32
    %multiple_of3A_80 = tpu.assume_multiple %multiple_of3A_79, 8 : i32
    %dma_wait3A_81 = tpu.memref_slice %arg6[%multiple_of3A_80] : memref<5000xi32, #tpu.memory_space<vmem>> -> memref<128xi32, #tpu.memory_space<vmem>>
    %dma_wait3A_82 = arith.constant 0 : i32
    %dma_wait3A_83 = arith.constant 0 : i32
    %dma_wait3A_84 = tpu.memref_slice %arg2[%dma_wait3A_82, %dma_wait3A_83] : memref<10000x64xf32, #tpu.memory_space<hbm>> -> memref<10000x64xf32, #tpu.memory_space<hbm>>
    tpu.wait_indirect_dma semaphore(%arg12 : memref<!tpu.dma_semaphore, #tpu.memory_space<semaphore_mem>>) src(%dma_wait3A_84 : memref<10000x64xf32, #tpu.memory_space<hbm>>) dst(%arg8 : memref<128x64xf32, #tpu.memory_space<vmem>>)
    %dma_wait3A_85 = arith.constant 0 : i32
    %dma_wait3A_86 = arith.constant 0 : i32
    %dma_wait3A_87 = tpu.memref_slice %arg9[%dma_wait3A_85, %dma_wait3A_86] : memref<128x64xf32, #tpu.memory_space<vmem>> -> memref<8x64xf32, #tpu.memory_space<vmem>>
    %dma_wait3A_88 = arith.constant 4992 : i32
    %dma_wait3A_89 = tpu.memref_slice %arg6[%dma_wait3A_88] : memref<5000xi32, #tpu.memory_space<vmem>> -> memref<8xi32, #tpu.memory_space<vmem>>
    %dma_wait3A_90 = arith.constant 0 : i32
    %dma_wait3A_91 = arith.constant 0 : i32
    %dma_wait3A_92 = tpu.memref_slice %arg2[%dma_wait3A_90, %dma_wait3A_91] : memref<10000x64xf32, #tpu.memory_space<hbm>> -> memref<10000x64xf32, #tpu.memory_space<hbm>>
    tpu.wait_indirect_dma semaphore(%arg13 : memref<!tpu.dma_semaphore, #tpu.memory_space<semaphore_mem>>) src(%dma_wait3A_92 : memref<10000x64xf32, #tpu.memory_space<hbm>>) dst(%dma_wait3A_87 : memref<8x64xf32, #tpu.memory_space<vmem>>)
    %barrier3A_93 = arith.constant 0 : index
    tpu.barrier barrier_id(%barrier3A_93)
    %lt3A_94 = arith.constant 15 : i32
    %lt3A_95 = arith.cmpi slt, %arg1, %lt3A_94 : i32
    %convert_element_type3A_96 = arith.extui %lt3A_95 : i1 to i32
    %cond3A_97 = arith.constant 0 : i32
    %cond3A_98 = arith.cmpi ne, %convert_element_type3A_96, %cond3A_97 : i32
    scf.if %cond3A_98 {
      %mul3A_104 = arith.constant 640 : i32
      %mul3A_105 = arith.muli %arg1, %mul3A_104 : i32
      %multiple_of3A_106 = tpu.assume_multiple %mul3A_105, 8 : i32
      "tpu.region"() ({
        %run_scoped3A_107 = tpu.sem_alloc : memref<!tpu.dma_semaphore, #tpu.memory_space<semaphore_mem>>
        %dma_start3A_108 = arith.constant 0 : i32
        %dma_start3A_109 = arith.constant 0 : i32
        %dma_start3A_110 = tpu.memref_slice %arg5[%arg0, %dma_start3A_108, %dma_start3A_109] : memref<2x10000x64xf32, #tpu.memory_space<hbm>> -> memref<1x10000x64xf32, #tpu.memory_space<hbm>>
        %dma_start3A_111 = tpu.memref_squeeze %dma_start3A_110 : memref<1x10000x64xf32, #tpu.memory_space<hbm>> -> memref<10000x64xf32, #tpu.memory_space<hbm>>
        %dma_start3A_112 = arith.constant 0 : i32
        %dma_start3A_113 = tpu.memref_slice %dma_start3A_111[%multiple_of3A_106, %dma_start3A_112] : memref<10000x64xf32, #tpu.memory_space<hbm>> -> memref<640x64xf32, #tpu.memory_space<hbm>>
        %dma_start3A_114 = arith.constant 0 : i32
        %dma_start3A_115 = tpu.memref_slice %arg14[%multiple_of3A_106, %dma_start3A_114] : memref<10000x64xf32, #tpu.memory_space<vmem_shared>> -> memref<640x64xf32, #tpu.memory_space<vmem_shared>>
        tpu.enqueue_dma source(%dma_start3A_115 : memref<640x64xf32, #tpu.memory_space<vmem_shared>>) target(%dma_start3A_113 : memref<640x64xf32, #tpu.memory_space<hbm>>) target_semaphore(%run_scoped3A_107 : memref<!tpu.dma_semaphore, #tpu.memory_space<semaphore_mem>>)
        %dma_wait3A_116 = arith.constant 0 : i32
        %dma_wait3A_117 = arith.constant 0 : i32
        %dma_wait3A_118 = tpu.memref_slice %arg5[%arg0, %dma_wait3A_116, %dma_wait3A_117] : memref<2x10000x64xf32, #tpu.memory_space<hbm>> -> memref<1x10000x64xf32, #tpu.memory_space<hbm>>
        %dma_wait3A_119 = tpu.memref_squeeze %dma_wait3A_118 : memref<1x10000x64xf32, #tpu.memory_space<hbm>> -> memref<10000x64xf32, #tpu.memory_space<hbm>>
        %dma_wait3A_120 = arith.constant 0 : i32
        %dma_wait3A_121 = tpu.memref_slice %dma_wait3A_119[%multiple_of3A_106, %dma_wait3A_120] : memref<10000x64xf32, #tpu.memory_space<hbm>> -> memref<640x64xf32, #tpu.memory_space<hbm>>
        %dma_wait3A_122 = arith.constant 0 : i32
        %dma_wait3A_123 = tpu.memref_slice %arg14[%multiple_of3A_106, %dma_wait3A_122] : memref<10000x64xf32, #tpu.memory_space<vmem_shared>> -> memref<640x64xf32, #tpu.memory_space<vmem_shared>>
        tpu.wait_dma2 semaphore(%run_scoped3A_107 : memref<!tpu.dma_semaphore, #tpu.memory_space<semaphore_mem>>) src(%dma_wait3A_123 : memref<640x64xf32, #tpu.memory_space<vmem_shared>>) dst(%dma_wait3A_121 : memref<640x64xf32, #tpu.memory_space<hbm>>)
        tpu.yield
      }) : () -> ()
    } else {
    }
    %eq3A_99 = arith.constant 15 : i32
    %eq3A_100 = arith.cmpi eq, %arg1, %eq3A_99 : i32
    %convert_element_type3A_101 = arith.extui %eq3A_100 : i1 to i32
    %cond3A_102 = arith.constant 0 : i32
    %cond3A_103 = arith.cmpi ne, %convert_element_type3A_101, %cond3A_102 : i32
    scf.if %cond3A_103 {
      "tpu.region"() ({
        %run_scoped3A_104 = tpu.sem_alloc : memref<!tpu.dma_semaphore, #tpu.memory_space<semaphore_mem>>
        %dma_start3A_105 = arith.constant 0 : i32
        %dma_start3A_106 = arith.constant 0 : i32
        %dma_start3A_107 = tpu.memref_slice %arg5[%arg0, %dma_start3A_105, %dma_start3A_106] : memref<2x10000x64xf32, #tpu.memory_space<hbm>> -> memref<1x10000x64xf32, #tpu.memory_space<hbm>>
        %dma_start3A_108 = tpu.memref_squeeze %dma_start3A_107 : memref<1x10000x64xf32, #tpu.memory_space<hbm>> -> memref<10000x64xf32, #tpu.memory_space<hbm>>
        %dma_start3A_109 = arith.constant 9600 : i32
        %dma_start3A_110 = arith.constant 0 : i32
        %dma_start3A_111 = tpu.memref_slice %dma_start3A_108[%dma_start3A_109, %dma_start3A_110] : memref<10000x64xf32, #tpu.memory_space<hbm>> -> memref<400x64xf32, #tpu.memory_space<hbm>>
        %dma_start3A_112 = arith.constant 9600 : i32
        %dma_start3A_113 = arith.constant 0 : i32
        %dma_start3A_114 = tpu.memref_slice %arg14[%dma_start3A_112, %dma_start3A_113] : memref<10000x64xf32, #tpu.memory_space<vmem_shared>> -> memref<400x64xf32, #tpu.memory_space<vmem_shared>>
        tpu.enqueue_dma source(%dma_start3A_114 : memref<400x64xf32, #tpu.memory_space<vmem_shared>>) target(%dma_start3A_111 : memref<400x64xf32, #tpu.memory_space<hbm>>) target_semaphore(%run_scoped3A_104 : memref<!tpu.dma_semaphore, #tpu.memory_space<semaphore_mem>>)
        %dma_wait3A_115 = arith.constant 0 : i32
        %dma_wait3A_116 = arith.constant 0 : i32
        %dma_wait3A_117 = tpu.memref_slice %arg5[%arg0, %dma_wait3A_115, %dma_wait3A_116] : memref<2x10000x64xf32, #tpu.memory_space<hbm>> -> memref<1x10000x64xf32, #tpu.memory_space<hbm>>
        %dma_wait3A_118 = tpu.memref_squeeze %dma_wait3A_117 : memref<1x10000x64xf32, #tpu.memory_space<hbm>> -> memref<10000x64xf32, #tpu.memory_space<hbm>>
        %dma_wait3A_119 = arith.constant 9600 : i32
        %dma_wait3A_120 = arith.constant 0 : i32
        %dma_wait3A_121 = tpu.memref_slice %dma_wait3A_118[%dma_wait3A_119, %dma_wait3A_120] : memref<10000x64xf32, #tpu.memory_space<hbm>> -> memref<400x64xf32, #tpu.memory_space<hbm>>
        %dma_wait3A_122 = arith.constant 9600 : i32
        %dma_wait3A_123 = arith.constant 0 : i32
        %dma_wait3A_124 = tpu.memref_slice %arg14[%dma_wait3A_122, %dma_wait3A_123] : memref<10000x64xf32, #tpu.memory_space<vmem_shared>> -> memref<400x64xf32, #tpu.memory_space<vmem_shared>>
        tpu.wait_dma2 semaphore(%run_scoped3A_104 : memref<!tpu.dma_semaphore, #tpu.memory_space<semaphore_mem>>) src(%dma_wait3A_124 : memref<400x64xf32, #tpu.memory_space<vmem_shared>>) dst(%dma_wait3A_121 : memref<400x64xf32, #tpu.memory_space<hbm>>)
        tpu.yield
      }) : () -> ()
    } else {
    }
    return
  }
}

module attributes {stable_mosaic.version = 14 : i64} {
  func.func @_lin0_body(%arg0: i32, %arg1: memref<2000x256xf32, #tpu.memory_space<vmem>>, %arg2: memref<256x64xf32, #tpu.memory_space<vmem>>, %arg3: memref<1x64xf32, #tpu.memory_space<vmem>>, %arg4: memref<2000x64xf32, #tpu.memory_space<vmem>>) attributes {dimension_semantics = [#tpu.dimension_semantics<arbitrary>], iteration_bounds = array<i64: 5>, scalar_prefetch = 0 : i64, scratch_operands = 0 : i64, tpu.core_type = #tpu.core_type<tc>, window_params = [{transform_indices = @transform_0, window_bounds = array<i64: 2000, 256>}, {pipeline_mode = #tpu.pipeline_mode<synchronous>, transform_indices = @transform_1, window_bounds = array<i64: 256, 64>}, {pipeline_mode = #tpu.pipeline_mode<synchronous>, transform_indices = @transform_2, window_bounds = array<i64: 1, 64>}, {transform_indices = @transform_3, window_bounds = array<i64: 2000, 64>}]} {
    %get3A = arith.constant 0 : index
    %get3A_0 = arith.constant 0 : index
    %get3A_1 = vector.load %arg1[%get3A, %get3A_0] : memref<2000x256xf32, #tpu.memory_space<vmem>>, vector<2000x256xf32>
    %get3A_2 = arith.constant 0 : index
    %get3A_3 = arith.constant 0 : index
    %get3A_4 = vector.load %arg2[%get3A_2, %get3A_3] : memref<256x64xf32, #tpu.memory_space<vmem>>, vector<256x64xf32>
    %dot_general3A = arith.constant dense<0.000000e+00> : vector<2000x64xf32>
    %dot_general3A_5 = tpu.matmul %get3A_1, %get3A_4, %dot_general3A {dimension_numbers = #tpu.dot_dimension_numbers<[1], [0], [0], [1], [0, 0, 1, 1], [], []>, transpose_lhs_hint = false} : vector<2000x256xf32>, vector<256x64xf32>, vector<2000x64xf32> -> vector<2000x64xf32>
    %get3A_6 = arith.constant 0 : index
    %get3A_7 = arith.constant 0 : index
    %get3A_8 = vector.load %arg3[%get3A_6, %get3A_7] : memref<1x64xf32, #tpu.memory_space<vmem>>, vector<1x64xf32>
    %add3A = vector.broadcast %get3A_8 : vector<1x64xf32> to vector<2000x64xf32>
    %add3A_9 = arith.addf %dot_general3A_5, %add3A : vector<2000x64xf32>
    %max3A = arith.constant 0.000000e+00 : f32
    %max3A_10 = vector.broadcast %max3A : f32 to vector<2000x64xf32>
    %max3A_11 = arith.maximumf %add3A_9, %max3A_10 : vector<2000x64xf32>
    %swap3A = arith.constant 0 : index
    %swap3A_12 = arith.constant 0 : index
    %swap3A_13 = vector.load %arg4[%swap3A, %swap3A_12] : memref<2000x64xf32, #tpu.memory_space<vmem>>, vector<2000x64xf32>
    tpu.vector_store %arg4[%swap3A, %swap3A_12], %max3A_11 {strides = array<i32>} : memref<2000x64xf32, #tpu.memory_space<vmem>>, vector<2000x64xf32>,
    return
  }
  func.func @transform_0(%arg0: i32) -> (i32, i32) {
    %c0_i32 = arith.constant 0 : i32
    %c0_i32_0 = arith.constant 0 : i32
    return %arg0, %c0_i32 : i32, i32
  }
  func.func @transform_1(%arg0: i32) -> (i32, i32) {
    %c0_i32 = arith.constant 0 : i32
    %c0_i32_0 = arith.constant 0 : i32
    %c0_i32_1 = arith.constant 0 : i32
    return %c0_i32, %c0_i32_0 : i32, i32
  }
  func.func @transform_2(%arg0: i32) -> (i32, i32) {
    %c0_i32 = arith.constant 0 : i32
    %c0_i32_0 = arith.constant 0 : i32
    %c0_i32_1 = arith.constant 0 : i32
    return %c0_i32, %c0_i32_0 : i32, i32
  }
  func.func @transform_3(%arg0: i32) -> (i32, i32) {
    %c0_i32 = arith.constant 0 : i32
    %c0_i32_0 = arith.constant 0 : i32
    return %arg0, %c0_i32 : i32, i32
  }
}

module attributes {stable_mosaic.version = 14 : i64} {
  func.func @_conv_body(%arg0: i32, %arg1: memref<2x2000x64xf32, #tpu.memory_space<vmem>>, %arg2: memref<2000x2xf32, #tpu.memory_space<vmem>>, %arg3: memref<2000x64xf32, #tpu.memory_space<vmem>>, %arg4: memref<64x64xf32, #tpu.memory_space<vmem>>, %arg5: memref<64x64xf32, #tpu.memory_space<vmem>>, %arg6: memref<1x64xf32, #tpu.memory_space<vmem>>, %arg7: memref<2000x64xf32, #tpu.memory_space<vmem>>) attributes {dimension_semantics = [#tpu.dimension_semantics<arbitrary>], iteration_bounds = array<i64: 5>, scalar_prefetch = 0 : i64, scratch_operands = 0 : i64, tpu.core_type = #tpu.core_type<tc>, window_params = [{transform_indices = @transform_0, window_bounds = array<i64: 2, 2000, 64>}, {transform_indices = @transform_1, window_bounds = array<i64: 2000, 2>}, {transform_indices = @transform_2, window_bounds = array<i64: 2000, 64>}, {pipeline_mode = #tpu.pipeline_mode<synchronous>, transform_indices = @transform_3, window_bounds = array<i64: 64, 64>}, {pipeline_mode = #tpu.pipeline_mode<synchronous>, transform_indices = @transform_4, window_bounds = array<i64: 64, 64>}, {pipeline_mode = #tpu.pipeline_mode<synchronous>, transform_indices = @transform_5, window_bounds = array<i64: 1, 64>}, {transform_indices = @transform_6, window_bounds = array<i64: 2000, 64>}]} {
    %get3A = arith.constant 0 : index
    %get3A_0 = arith.constant 0 : index
    %get3A_1 = vector.load %arg2[%get3A, %get3A_0] : memref<2000x2xf32, #tpu.memory_space<vmem>>, vector<2000x2xf32>
    %slice3A = vector.extract_strided_slice %get3A_1 {offsets = [0, 0], sizes = [2000, 1], strides = [1, 1]} : vector<2000x2xf32> to vector<2000x1xf32>
    %slice3A_2 = vector.extract_strided_slice %get3A_1 {offsets = [0, 1], sizes = [2000, 1], strides = [1, 1]} : vector<2000x2xf32> to vector<2000x1xf32>
    %add3A = arith.addf %slice3A, %slice3A_2 : vector<2000x1xf32>
    %max3A = arith.constant 1.000000e+00 : f32
    %max3A_3 = vector.broadcast %max3A : f32 to vector<2000x1xf32>
    %max3A_4 = arith.maximumf %add3A, %max3A_3 : vector<2000x1xf32>
    %div3A = arith.constant 1.000000e+00 : f32
    %div3A_5 = vector.broadcast %div3A : f32 to vector<2000x1xf32>
    %div3A_6 = arith.divf %div3A_5, %max3A_4 : vector<2000x1xf32>
    %get3A_7 = arith.constant 0 : index
    %get3A_8 = arith.constant 0 : index
    %get3A_9 = arith.constant 0 : index
    %get3A_10 = vector.load %arg1[%get3A_7, %get3A_8, %get3A_9] : memref<2x2000x64xf32, #tpu.memory_space<vmem>>, vector<1x2000x64xf32>
    %get3A_11 = vector.shape_cast %get3A_10 : vector<1x2000x64xf32> to vector<2000x64xf32>
    %get3A_12 = arith.constant 1 : index
    %get3A_13 = arith.constant 0 : index
    %get3A_14 = arith.constant 0 : index
    %get3A_15 = vector.load %arg1[%get3A_12, %get3A_13, %get3A_14] : memref<2x2000x64xf32, #tpu.memory_space<vmem>>, vector<1x2000x64xf32>
    %get3A_16 = vector.shape_cast %get3A_15 : vector<1x2000x64xf32> to vector<2000x64xf32>
    %add3A_17 = arith.addf %get3A_11, %get3A_16 : vector<2000x64xf32>
    %mul3A = vector.broadcast %div3A_6 : vector<2000x1xf32> to vector<2000x64xf32>
    %mul3A_18 = arith.mulf %add3A_17, %mul3A : vector<2000x64xf32>
    %get3A_19 = arith.constant 0 : index
    %get3A_20 = arith.constant 0 : index
    %get3A_21 = vector.load %arg4[%get3A_19, %get3A_20] : memref<64x64xf32, #tpu.memory_space<vmem>>, vector<64x64xf32>
    %dot_general3A = arith.constant dense<0.000000e+00> : vector<2000x64xf32>
    %dot_general3A_22 = tpu.matmul %mul3A_18, %get3A_21, %dot_general3A {dimension_numbers = #tpu.dot_dimension_numbers<[1], [0], [0], [1], [0, 0, 1, 1], [], []>, transpose_lhs_hint = false} : vector<2000x64xf32>, vector<64x64xf32>, vector<2000x64xf32> -> vector<2000x64xf32>
    %get3A_23 = arith.constant 0 : index
    %get3A_24 = arith.constant 0 : index
    %get3A_25 = vector.load %arg3[%get3A_23, %get3A_24] : memref<2000x64xf32, #tpu.memory_space<vmem>>, vector<2000x64xf32>
    %get3A_26 = arith.constant 0 : index
    %get3A_27 = arith.constant 0 : index
    %get3A_28 = vector.load %arg5[%get3A_26, %get3A_27] : memref<64x64xf32, #tpu.memory_space<vmem>>, vector<64x64xf32>
    %dot_general3A_29 = arith.constant dense<0.000000e+00> : vector<2000x64xf32>
    %dot_general3A_30 = tpu.matmul %get3A_25, %get3A_28, %dot_general3A_29 {dimension_numbers = #tpu.dot_dimension_numbers<[1], [0], [0], [1], [0, 0, 1, 1], [], []>, transpose_lhs_hint = false} : vector<2000x64xf32>, vector<64x64xf32>, vector<2000x64xf32> -> vector<2000x64xf32>
    %add3A_31 = arith.addf %dot_general3A_22, %dot_general3A_30 : vector<2000x64xf32>
    %get3A_32 = arith.constant 0 : index
    %get3A_33 = arith.constant 0 : index
    %get3A_34 = vector.load %arg6[%get3A_32, %get3A_33] : memref<1x64xf32, #tpu.memory_space<vmem>>, vector<1x64xf32>
    %add3A_35 = vector.broadcast %get3A_34 : vector<1x64xf32> to vector<2000x64xf32>
    %add3A_36 = arith.addf %add3A_31, %add3A_35 : vector<2000x64xf32>
    %max3A_37 = arith.constant 0.000000e+00 : f32
    %max3A_38 = vector.broadcast %max3A_37 : f32 to vector<2000x64xf32>
    %max3A_39 = arith.maximumf %add3A_36, %max3A_38 : vector<2000x64xf32>
    %swap3A = arith.constant 0 : index
    %swap3A_40 = arith.constant 0 : index
    %swap3A_41 = vector.load %arg7[%swap3A, %swap3A_40] : memref<2000x64xf32, #tpu.memory_space<vmem>>, vector<2000x64xf32>
    tpu.vector_store %arg7[%swap3A, %swap3A_40], %max3A_39 {strides = array<i32>} : memref<2000x64xf32, #tpu.memory_space<vmem>>, vector<2000x64xf32>,
    return
  }
  func.func @transform_0(%arg0: i32) -> (i32, i32, i32) {
    %c0_i32 = arith.constant 0 : i32
    %c0_i32_0 = arith.constant 0 : i32
    %c0_i32_1 = arith.constant 0 : i32
    return %c0_i32, %arg0, %c0_i32_0 : i32, i32, i32
  }
  func.func @transform_1(%arg0: i32) -> (i32, i32) {
    %c0_i32 = arith.constant 0 : i32
    %c0_i32_0 = arith.constant 0 : i32
    return %arg0, %c0_i32 : i32, i32
  }
  func.func @transform_2(%arg0: i32) -> (i32, i32) {
    %c0_i32 = arith.constant 0 : i32
    %c0_i32_0 = arith.constant 0 : i32
    return %arg0, %c0_i32 : i32, i32
  }
  func.func @transform_3(%arg0: i32) -> (i32, i32) {
    %c0_i32 = arith.constant 0 : i32
    %c0_i32_0 = arith.constant 0 : i32
    %c0_i32_1 = arith.constant 0 : i32
    return %c0_i32, %c0_i32_0 : i32, i32
  }
  func.func @transform_4(%arg0: i32) -> (i32, i32) {
    %c0_i32 = arith.constant 0 : i32
    %c0_i32_0 = arith.constant 0 : i32
    %c0_i32_1 = arith.constant 0 : i32
    return %c0_i32, %c0_i32_0 : i32, i32
  }
  func.func @transform_5(%arg0: i32) -> (i32, i32) {
    %c0_i32 = arith.constant 0 : i32
    %c0_i32_0 = arith.constant 0 : i32
    %c0_i32_1 = arith.constant 0 : i32
    return %c0_i32, %c0_i32_0 : i32, i32
  }
  func.func @transform_6(%arg0: i32) -> (i32, i32) {
    %c0_i32 = arith.constant 0 : i32
    %c0_i32_0 = arith.constant 0 : i32
    return %arg0, %c0_i32 : i32, i32
  }
}

module attributes {stable_mosaic.version = 14 : i64} {
  func.func @_final_body(%arg0: i32, %arg1: memref<2x2000x64xf32, #tpu.memory_space<vmem>>, %arg2: memref<2000x2xf32, #tpu.memory_space<vmem>>, %arg3: memref<2000x64xf32, #tpu.memory_space<vmem>>, %arg4: memref<64x64xf32, #tpu.memory_space<vmem>>, %arg5: memref<64x64xf32, #tpu.memory_space<vmem>>, %arg6: memref<1x64xf32, #tpu.memory_space<vmem>>, %arg7: memref<64x256xf32, #tpu.memory_space<vmem>>, %arg8: memref<1x256xf32, #tpu.memory_space<vmem>>, %arg9: memref<2000x256xf32, #tpu.memory_space<vmem>>) attributes {dimension_semantics = [#tpu.dimension_semantics<arbitrary>], iteration_bounds = array<i64: 5>, scalar_prefetch = 0 : i64, scratch_operands = 0 : i64, tpu.core_type = #tpu.core_type<tc>, window_params = [{transform_indices = @transform_0, window_bounds = array<i64: 2, 2000, 64>}, {transform_indices = @transform_1, window_bounds = array<i64: 2000, 2>}, {transform_indices = @transform_2, window_bounds = array<i64: 2000, 64>}, {pipeline_mode = #tpu.pipeline_mode<synchronous>, transform_indices = @transform_3, window_bounds = array<i64: 64, 64>}, {pipeline_mode = #tpu.pipeline_mode<synchronous>, transform_indices = @transform_4, window_bounds = array<i64: 64, 64>}, {pipeline_mode = #tpu.pipeline_mode<synchronous>, transform_indices = @transform_5, window_bounds = array<i64: 1, 64>}, {pipeline_mode = #tpu.pipeline_mode<synchronous>, transform_indices = @transform_6, window_bounds = array<i64: 64, 256>}, {pipeline_mode = #tpu.pipeline_mode<synchronous>, transform_indices = @transform_7, window_bounds = array<i64: 1, 256>}, {transform_indices = @transform_8, window_bounds = array<i64: 2000, 256>}]} {
    %get3A = arith.constant 0 : index
    %get3A_0 = arith.constant 0 : index
    %get3A_1 = vector.load %arg2[%get3A, %get3A_0] : memref<2000x2xf32, #tpu.memory_space<vmem>>, vector<2000x2xf32>
    %slice3A = vector.extract_strided_slice %get3A_1 {offsets = [0, 0], sizes = [2000, 1], strides = [1, 1]} : vector<2000x2xf32> to vector<2000x1xf32>
    %slice3A_2 = vector.extract_strided_slice %get3A_1 {offsets = [0, 1], sizes = [2000, 1], strides = [1, 1]} : vector<2000x2xf32> to vector<2000x1xf32>
    %add3A = arith.addf %slice3A, %slice3A_2 : vector<2000x1xf32>
    %max3A = arith.constant 1.000000e+00 : f32
    %max3A_3 = vector.broadcast %max3A : f32 to vector<2000x1xf32>
    %max3A_4 = arith.maximumf %add3A, %max3A_3 : vector<2000x1xf32>
    %div3A = arith.constant 1.000000e+00 : f32
    %div3A_5 = vector.broadcast %div3A : f32 to vector<2000x1xf32>
    %div3A_6 = arith.divf %div3A_5, %max3A_4 : vector<2000x1xf32>
    %get3A_7 = arith.constant 0 : index
    %get3A_8 = arith.constant 0 : index
    %get3A_9 = arith.constant 0 : index
    %get3A_10 = vector.load %arg1[%get3A_7, %get3A_8, %get3A_9] : memref<2x2000x64xf32, #tpu.memory_space<vmem>>, vector<1x2000x64xf32>
    %get3A_11 = vector.shape_cast %get3A_10 : vector<1x2000x64xf32> to vector<2000x64xf32>
    %get3A_12 = arith.constant 1 : index
    %get3A_13 = arith.constant 0 : index
    %get3A_14 = arith.constant 0 : index
    %get3A_15 = vector.load %arg1[%get3A_12, %get3A_13, %get3A_14] : memref<2x2000x64xf32, #tpu.memory_space<vmem>>, vector<1x2000x64xf32>
    %get3A_16 = vector.shape_cast %get3A_15 : vector<1x2000x64xf32> to vector<2000x64xf32>
    %add3A_17 = arith.addf %get3A_11, %get3A_16 : vector<2000x64xf32>
    %mul3A = vector.broadcast %div3A_6 : vector<2000x1xf32> to vector<2000x64xf32>
    %mul3A_18 = arith.mulf %add3A_17, %mul3A : vector<2000x64xf32>
    %get3A_19 = arith.constant 0 : index
    %get3A_20 = arith.constant 0 : index
    %get3A_21 = vector.load %arg4[%get3A_19, %get3A_20] : memref<64x64xf32, #tpu.memory_space<vmem>>, vector<64x64xf32>
    %dot_general3A = arith.constant dense<0.000000e+00> : vector<2000x64xf32>
    %dot_general3A_22 = tpu.matmul %mul3A_18, %get3A_21, %dot_general3A {dimension_numbers = #tpu.dot_dimension_numbers<[1], [0], [0], [1], [0, 0, 1, 1], [], []>, transpose_lhs_hint = false} : vector<2000x64xf32>, vector<64x64xf32>, vector<2000x64xf32> -> vector<2000x64xf32>
    %get3A_23 = arith.constant 0 : index
    %get3A_24 = arith.constant 0 : index
    %get3A_25 = vector.load %arg3[%get3A_23, %get3A_24] : memref<2000x64xf32, #tpu.memory_space<vmem>>, vector<2000x64xf32>
    %get3A_26 = arith.constant 0 : index
    %get3A_27 = arith.constant 0 : index
    %get3A_28 = vector.load %arg5[%get3A_26, %get3A_27] : memref<64x64xf32, #tpu.memory_space<vmem>>, vector<64x64xf32>
    %dot_general3A_29 = arith.constant dense<0.000000e+00> : vector<2000x64xf32>
    %dot_general3A_30 = tpu.matmul %get3A_25, %get3A_28, %dot_general3A_29 {dimension_numbers = #tpu.dot_dimension_numbers<[1], [0], [0], [1], [0, 0, 1, 1], [], []>, transpose_lhs_hint = false} : vector<2000x64xf32>, vector<64x64xf32>, vector<2000x64xf32> -> vector<2000x64xf32>
    %add3A_31 = arith.addf %dot_general3A_22, %dot_general3A_30 : vector<2000x64xf32>
    %get3A_32 = arith.constant 0 : index
    %get3A_33 = arith.constant 0 : index
    %get3A_34 = vector.load %arg6[%get3A_32, %get3A_33] : memref<1x64xf32, #tpu.memory_space<vmem>>, vector<1x64xf32>
    %add3A_35 = vector.broadcast %get3A_34 : vector<1x64xf32> to vector<2000x64xf32>
    %add3A_36 = arith.addf %add3A_31, %add3A_35 : vector<2000x64xf32>
    %max3A_37 = arith.constant 0.000000e+00 : f32
    %max3A_38 = vector.broadcast %max3A_37 : f32 to vector<2000x64xf32>
    %max3A_39 = arith.maximumf %add3A_36, %max3A_38 : vector<2000x64xf32>
    %get3A_40 = arith.constant 0 : index
    %get3A_41 = arith.constant 0 : index
    %get3A_42 = vector.load %arg7[%get3A_40, %get3A_41] : memref<64x256xf32, #tpu.memory_space<vmem>>, vector<64x256xf32>
    %dot_general3A_43 = arith.constant dense<0.000000e+00> : vector<2000x256xf32>
    %dot_general3A_44 = tpu.matmul %max3A_39, %get3A_42, %dot_general3A_43 {dimension_numbers = #tpu.dot_dimension_numbers<[1], [0], [0], [1], [0, 0, 1, 1], [], []>, transpose_lhs_hint = false} : vector<2000x64xf32>, vector<64x256xf32>, vector<2000x256xf32> -> vector<2000x256xf32>
    %get3A_45 = arith.constant 0 : index
    %get3A_46 = arith.constant 0 : index
    %get3A_47 = vector.load %arg8[%get3A_45, %get3A_46] : memref<1x256xf32, #tpu.memory_space<vmem>>, vector<1x256xf32>
    %add3A_48 = vector.broadcast %get3A_47 : vector<1x256xf32> to vector<2000x256xf32>
    %add3A_49 = arith.addf %dot_general3A_44, %add3A_48 : vector<2000x256xf32>
    %reduce_max3A = arith.constant dense<0xFF800000> : vector<2000xf32>
    %reduce_max3A_50 = vector.multi_reduction <maximumf>, %add3A_49, %reduce_max3A [1] : vector<2000x256xf32> to vector<2000xf32>
    %broadcast_in_dim3A = vector.shape_cast %reduce_max3A_50 : vector<2000xf32> to vector<2000x1xf32>
    %sub3A = vector.broadcast %broadcast_in_dim3A : vector<2000x1xf32> to vector<2000x256xf32>
    %sub3A_51 = arith.subf %add3A_49, %sub3A : vector<2000x256xf32>
    %exp3A = math.exp %sub3A_51 : vector<2000x256xf32>
    %reduce_sum3A = arith.constant dense<0.000000e+00> : vector<2000xf32>
    %reduce_sum3A_52 = vector.multi_reduction <add>, %exp3A, %reduce_sum3A [1] : vector<2000x256xf32> to vector<2000xf32>
    %broadcast_in_dim3A_53 = vector.shape_cast %reduce_sum3A_52 : vector<2000xf32> to vector<2000x1xf32>
    %log3A = math.log %broadcast_in_dim3A_53 : vector<2000x1xf32>
    %sub3A_54 = vector.broadcast %log3A : vector<2000x1xf32> to vector<2000x256xf32>
    %sub3A_55 = arith.subf %sub3A_51, %sub3A_54 : vector<2000x256xf32>
    %swap3A = arith.constant 0 : index
    %swap3A_56 = arith.constant 0 : index
    %swap3A_57 = vector.load %arg9[%swap3A, %swap3A_56] : memref<2000x256xf32, #tpu.memory_space<vmem>>, vector<2000x256xf32>
    tpu.vector_store %arg9[%swap3A, %swap3A_56], %sub3A_55 {strides = array<i32>} : memref<2000x256xf32, #tpu.memory_space<vmem>>, vector<2000x256xf32>,
    return
  }
  func.func @transform_0(%arg0: i32) -> (i32, i32, i32) {
    %c0_i32 = arith.constant 0 : i32
    %c0_i32_0 = arith.constant 0 : i32
    %c0_i32_1 = arith.constant 0 : i32
    return %c0_i32, %arg0, %c0_i32_0 : i32, i32, i32
  }
  func.func @transform_1(%arg0: i32) -> (i32, i32) {
    %c0_i32 = arith.constant 0 : i32
    %c0_i32_0 = arith.constant 0 : i32
    return %arg0, %c0_i32 : i32, i32
  }
  func.func @transform_2(%arg0: i32) -> (i32, i32) {
    %c0_i32 = arith.constant 0 : i32
    %c0_i32_0 = arith.constant 0 : i32
    return %arg0, %c0_i32 : i32, i32
  }
  func.func @transform_3(%arg0: i32) -> (i32, i32) {
    %c0_i32 = arith.constant 0 : i32
    %c0_i32_0 = arith.constant 0 : i32
    %c0_i32_1 = arith.constant 0 : i32
    return %c0_i32, %c0_i32_0 : i32, i32
  }
  func.func @transform_4(%arg0: i32) -> (i32, i32) {
    %c0_i32 = arith.constant 0 : i32
    %c0_i32_0 = arith.constant 0 : i32
    %c0_i32_1 = arith.constant 0 : i32
    return %c0_i32, %c0_i32_0 : i32, i32
  }
  func.func @transform_5(%arg0: i32) -> (i32, i32) {
    %c0_i32 = arith.constant 0 : i32
    %c0_i32_0 = arith.constant 0 : i32
    %c0_i32_1 = arith.constant 0 : i32
    return %c0_i32, %c0_i32_0 : i32, i32
  }
  func.func @transform_6(%arg0: i32) -> (i32, i32) {
    %c0_i32 = arith.constant 0 : i32
    %c0_i32_0 = arith.constant 0 : i32
    %c0_i32_1 = arith.constant 0 : i32
    return %c0_i32, %c0_i32_0 : i32, i32
  }
  func.func @transform_7(%arg0: i32) -> (i32, i32) {
    %c0_i32 = arith.constant 0 : i32
    %c0_i32_0 = arith.constant 0 : i32
    %c0_i32_1 = arith.constant 0 : i32
    return %c0_i32, %c0_i32_0 : i32, i32
  }
  func.func @transform_8(%arg0: i32) -> (i32, i32) {
    %c0_i32 = arith.constant 0 : i32
    %c0_i32_0 = arith.constant 0 : i32
    return %arg0, %c0_i32 : i32, i32
  }
}

</mosaic_0001>

<sc_bundles>
// kernel: kernel.10.cloned.1.call-start
scs
__scs_entry_jumppad:
0x0: {  	(pc) =	sbr.rel $0x88, $3  }
0x1: {  	(tag) =	ssettag $0x0;
	lr =	simm.s32 $0x1  }
0x2: {  	[smem:$0x3F95] =	sst lr;
	_ =	strace $0xD0000000  }
0x3: {  	_ = 	snop  }
0x4: {  	_ = 	snop  }
0x5: {  	_ = 	snop  }
0x6: {  	_ = 	snop  }
0x7: {  	_ = 	snop  }
__scs_overlays_trampoline_lowered:
0x8: {  	[smem:$0x3FA4] =	sst s0  }
0x9: {  	[smem:$0x3FA5] =	sst s1  }
0xa: {  	[smem:$0x3FA6] =	sst s2  }
0xb: {  	[smem:$0x3FA7] =	sst s3  }
0xc: {  	[smem:$0x3FA8] =	sst s4  }
0xd: {  	[smem:$0x3FA9] =	sst s5  }
0xe: {  	[smem:$0x3FAA] =	sst s6  }
0xf: {  	[smem:$0x3FAB] =	sst s7  }
0x10: {  	[smem:$0x3FAC] =	sst s8  }
0x11: {  	[smem:$0x3FAD] =	sst s9;
	s0 =	simm.s32 @!p0 $0x0  }
0x12: {  	s1 =	sld [smem:$0x3F93];
	s0 =	simm.s32 @p0 $0x1  }
0x13: {  	[smem:$0x3FAE] =	sst s0;
	s0 =	simm.s32 @!p1 $0x0  }
0x14: {  	s2 =	sld [smem:$0x3F92];
	s0 =	simm.s32 @p1 $0x1  }
0x15: {  	[smem:$0x3FAF] =	sst s0;
	s0 =	simm.s32 @!p2 $0x0  }
0x16: {  	s3 =	sld [smem:$0x3FDB];
	s0 =	simm.s32 @p2 $0x1  }
0x17: {  	s4 =	simm.s32 $0x1BF5;
	[smem:$0x3FB1] =	sst s0  }
0x18: {  	s0 =	sld [smem:$0x3F94];
	_ =	swait.ge [sflag:s4], $0x0  }
0x19: {  	s7 =	sld [smem:$0x3F95]  }
0x1a: {  	s8 =	sadd.s32 $0xFFFFE003, lr  }
0x1b: {  	s9 =	sadd.s32 $0xFFFFFEF7, lr;
	s5 =	simm.s32 $0xFFFFFFFF;
	p2 =	slt.u32 s8, $0xFFFFF086  }
0x1c: {  	p1 =	slt.u32 s9, $0xF7A;
	s5 =	simm.s32 @!p2 $0x0  }
0x1d: {  	s5 =	simm.s32 @p1 $0x1;
	p0 =	seq.s32 s7, s2  }
0x1e: {  	s7 =	smul.u32 @!p0 $0xF7A, s2;
	p2 =	seq.s32 @!p0 s5, $0x0  }
0x1f: {  	s9 =	smul.u32 $0xF7A, s1;
	s8 =	simm.s32 @!p0 $0x1BF5;
	p2 =	por !p2, p0  }
0x20: {  	[sflag:s8] =	ssyncset.s32 @!p0 $0xFFFFF086;
	s6 =	sadd.s32 @!p0 s3, s7;
	s7 =	simm.s32 @!p0 $0x108  }
0x21: {  	s3 =	sadd.s32 s3, s9;
	s6 =	sadd.s32 @!p0 $0x88, s6;
	s7 =	simm.s32 @p2 $0x1082  }
0x22: {  	[simem:s7], [sflag:s8] =	dma.local @!p0 [hbm:s6], $0xF7A  }
0x23: {  	s9 =	sor.u32 $0xD0000000, s2;
	s6 =	simm.s32 $0x108;
	_ =	swait.ge @!p0 [sflag:s8], $0x0  }
0x24: {  	s3 =	sadd.s32 $0x88, s3;
	s6 =	simm.s32 @!p1 $0x1082;
	[sflag:s4] =	ssyncset.s32 $0xFFFFF086  }
0x25: {  	[simem:s6], [sflag:s4] =	dma.local [hbm:s3], $0xF7A  }
0x26: {  	[smem:$0x3F95] =	sst s1;
	(tag) =	ssettag s2;
	_ =	strace s9  }
0x27: {  	s1 =	sld [smem:$0x3FA5]  }
0x28: {  	s2 =	sld [smem:$0x3FA6]  }
0x29: {  	s4 =	sld [smem:$0x3FA8]  }
0x2a: {  	p0 =	seq.s32 s5, $0x0;
	s5 =	sld [smem:$0x3FA9]  }
0x2b: {  	s6 =	sld [smem:$0x3FAA]  }
0x2c: {  	s7 =	sld [smem:$0x3FAB]  }
0x2d: {  	s3 =	simm.s32 $0x108;
	s8 =	sld [smem:$0x3FAC]  }
0x2e: {  	s3 =	simm.s32 @!p0 $0x1082;
	s9 =	sld [smem:$0x3FAD]  }
0x2f: {  	lr =	sadd.s32 s0, s3;
	s0 =	sld [smem:$0x3FA4]  }
0x30: {  	s3 =	sld [smem:$0x3FA7]  }
0x31: {  	[smem:$0x3FB0] =	sst s10  }
0x32: {  	s10 =	sld [smem:$0x3FAE];
	_ =	sdelay $0x3  }
0x33: {  	p0 =	seq.s32 s10, $0x1;
	s10 =	sld [smem:$0x3FB0];
	_ =	sdelay $0x3  }
0x34: {  	[smem:$0x3FB0] =	sst s10  }
0x35: {  	s10 =	sld [smem:$0x3FAF];
	_ =	sdelay $0x3  }
0x36: {  	p1 =	seq.s32 s10, $0x1;
	s10 =	sld [smem:$0x3FB0];
	_ =	sdelay $0x3  }
0x37: {  	[smem:$0x3FB0] =	sst s10  }
0x38: {  	s10 =	sld [smem:$0x3FB1]  }
0x39: {  	_ = 	snop;
	(pc) =	sbr.ind lr, $3  }
0x3a: {  	_ = 	snop  }
0x3b: {  	_ = 	snop  }
0x3c: {  	p2 =	seq.s32 s10, $0x1;
	s10 =	sld [smem:$0x3FB0]  }
0x3d: {  	_ =	shalt  }
0x3e: {  	_ =	shalt  }
0x3f: {  	_ =	shalt  }
0x40: {  	_ =	shalt  }
0x41: {  	_ =	shalt  }
0x42: {  	_ =	shalt  }
0x43: {  	_ =	shalt  }
0x44: {  	_ =	shalt  }
0x45: {  	_ =	shalt  }
0x46: {  	_ =	shalt  }
0x47: {  	_ =	shalt  }
0x48: {  	_ =	shalt  }
0x49: {  	_ =	shalt  }
0x4a: {  	_ =	shalt  }
0x4b: {  	_ =	shalt  }
0x4c: {  	_ =	shalt  }
0x4d: {  	_ =	shalt  }
0x4e: {  	_ =	shalt  }
0x4f: {  	_ =	shalt  }
0x50: {  	_ =	shalt  }
0x51: {  	_ =	shalt  }
0x52: {  	_ =	shalt  }
0x53: {  	_ =	shalt  }
0x54: {  	_ =	shalt  }
0x55: {  	_ =	shalt  }
0x56: {  	_ =	shalt  }
0x57: {  	_ =	shalt  }
0x58: {  	_ =	shalt  }
0x59: {  	_ =	shalt  }
0x5a: {  	_ =	shalt  }
0x5b: {  	_ =	shalt  }
0x5c: {  	_ =	shalt  }
0x5d: {  	_ =	shalt  }
0x5e: {  	_ =	shalt  }
0x5f: {  	_ =	shalt  }
0x60: {  	_ =	shalt  }
0x61: {  	_ =	shalt  }
0x62: {  	_ =	shalt  }
0x63: {  	_ =	shalt  }
0x64: {  	_ =	shalt  }
0x65: {  	_ =	shalt  }
0x66: {  	_ =	shalt  }
0x67: {  	_ =	shalt  }
0x68: {  	_ =	shalt  }
0x69: {  	_ =	shalt  }
0x6a: {  	_ =	shalt  }
0x6b: {  	_ =	shalt  }
0x6c: {  	_ =	shalt  }
0x6d: {  	_ =	shalt  }
0x6e: {  	_ =	shalt  }
0x6f: {  	_ =	shalt  }
0x70: {  	_ =	shalt  }
0x71: {  	_ =	shalt  }
0x72: {  	_ =	shalt  }
0x73: {  	_ =	shalt  }
0x74: {  	_ =	shalt  }
0x75: {  	_ =	shalt  }
0x76: {  	_ =	shalt  }
0x77: {  	_ =	shalt  }
0x78: {  	_ =	shalt  }
0x79: {  	_ =	shalt  }
0x7a: {  	_ =	shalt  }
0x7b: {  	_ =	shalt  }
0x7c: {  	_ =	shalt  }
0x7d: {  	_ =	shalt  }
0x7e: {  	_ =	shalt  }
0x7f: {  	_ =	shalt  }
0x80: {  	_ =	shalt  }
0x81: {  	_ =	shalt  }
0x82: {  	_ =	shalt  }
0x83: {  	_ =	shalt  }
0x84: {  	_ =	shalt  }
0x85: {  	_ =	shalt  }
0x86: {  	_ =	shalt  }
0x87: {  	_ =	shalt  }
.Lfunc_end0:
.L_simem_size_0:
called_computation.1_lowered:
.L_overlay_start_0:
0x88: {  	s2 =	sld [smem:$0x3FD9]  }
0x89: {  	s3 =	sld [smem:$0x3FFE];
	_ =	sdelay $0x1  }
0x8a: {  	s1 =	srdreg.scid  }
0x8b: {  	s0 =	sand.u32 $0x1, s1  }
0x8c: {  	s17 =	sshll.u32 s0, $0xA;
	s2 =	sadd.s32 s3, s2  }
0x8d: {  	s2 =	sadd.s32 s2, s17  }
0x8e: {  	[smem:$0x3FBC] =	sst s2  }
0x8f: {  	_ = 	snop  }
0x90: {  	s2 =	sld [smem:$0x3FD0];
	(tm) =	ssettm $0x1  }
0x91: {  	s18 =	sld [smem:$0x3FFB];
	_ =	sdelay $0x3  }
0x92: {  	_ =	strace s18  }
0x93: {  	s3 =	sld [smem:$0x3FFC];
	_ =	sdelay $0x3  }
0x94: {  	_ =	strace s3  }
0x95: {  	s3 =	sld [smem:$0x3FFD];
	_ =	sdelay $0x3  }
0x96: {  	_ =	strace s3  }
0x97: {  	_ =	strace $0x8FFFFFFF  }
0x98: {  	s19 =	sld [smem:$0x3FDB];
	_ =	sdelay $0x1  }
0x99: {  	s4 =	simm.s32 $_scs_section_size  }
0x9a: {  	s5 =	simm.s32 $_size__tile_overlayer_lowered;
	s6 =	simm.s32 $_tile_overlayer_lowered  }
0x9b: {  	s22 =	simm.s32 $0x1BFF;
	s21 =	sshll.u32 s6, $0x1;
	s3 =	sadd.s32 s4, s19  }
0x9c: {  	s7 =	simm.s32 $0x0;
	s20 =	sshll.u32 s5, $0x1;
	s5 =	sadd.s32 s21, s3  }
0x9d: {  	[timem:s7], [sflag:s22] =	dma.local [hbm:s5], s20  }
0x9e: {  	_ =	swait.ge [sflag:s22], s20  }
0x9f: {  	s4 =	ssub.s32 $0x0, s20;
	[sflag:s22] =	ssyncset.done $0x0  }
0xa0: {  	[sflag:s22] =	ssyncadd.s32 s4;
	_ =	sdelay $0x1  }
0xa1: {  	s23 =	simm.s32 $0x1B8B  }
0xa2: {  	_ =	swait.ge [sflag:s23], $0x1  }
0xa3: {  	[sflag:s23] =	ssyncset.done $0x0  }
0xa4: {  	s25 =	simm.s32 $0x1B8E;
	s24 =	sld [smem:$0x3FFE];
	[sflag:s23] =	ssyncadd.s32 $0xFFFFFFFF  }
0xa5: {  	s26 =	simm.s32 $execute0_lowered;
	[smem:$0x3FD2] =	sst s25  }
0xa6: {  	s5 =	sshll.u32 s26, $0x1;
	_ =	strace $0x80000049;
	[dreg:$0x1] =	wrdreg $0xFFFFFFFF  }
0xa7: {  	s28 =	simm.s32 $_size_execute0_lowered;
	s3 =	sadd.s32 s3, s5;
	[dreg:$0x0] =	wrdreg $0x0  }
0xa8: {  	s5 =	sshll.u32 s28, $0x1;
	[dreg:$0x2] =	wrdreg s3  }
0xa9: {  	[dreg:$0x3] =	wrdreg s5  }
0xaa: {  	[dreg:$0x4] =	wrdreg $0xC0  }
0xab: {  	_ =	task [dreg:s7], $0x5FFFF  }
0xac: {  	[dreg:$0x1] =	wrdreg $0xFFFFFFFF  }
0xad: {  	[dreg:$0x0] =	wrdreg $0x60  }
0xae: {  	[dreg:$0x2] =	wrdreg s24  }
0xaf: {  	[dreg:$0x3] =	wrdreg s2  }
0xb0: {  	[dreg:$0x4] =	wrdreg $0x67100  }
0xb1: {  	[dreg:$0x5] =	wrdreg $0x9  }
0xb2: {  	_ =	task.clear_ibuf [dreg:s7], $0x6FFFF;
	_ =	strace $0x90000049  }
0xb3: {  	s29 =	simm.s32 $0x9;
	_ =	strace $0x8000004B  }
0xb4: {  	_ =	swait.ge [sflag:s29], $0x1  }
0xb5: {  	[sflag:s29] =	ssyncadd.s32 $0xFFFFFFFF  }
0xb6: {  	_ =	strace $0x9000004B  }
0xb7: {  	_ =	sfence  }
0xb8: {  	s30 =	sld [smem:$0x0];
	_ =	sdelay $0x2  }
0xb9: {  	s31 =	sshll.u32 s1, $0xD;
	s1 =	sshrl.u32 s1, $0x2  }
0xba: {  	s3 =	sand.u32 $0x4000, s31;
	s1 =	sadd.s32 s1, s30  }
0xbb: {  	s0 =	sor.u32 s3, s0;
	s1 =	sshll.u32 s1, $0x11  }
0xbc: {  	s0 =	sor.u32 s1, s0  }
0xbd: {  	s0 =	sadd.s32 $0x8F2B, s0  }
0xbe: {  	[sflag:s0] =	ssyncadd.remote.s32 $0x1  }
0xbf: {  	_ =	sfence.sel $0xFFFF  }
0xc0: {  	[dreg:$0x0] =	wrdreg $0xFFFFFFFF;
	(pc) =	sbr.abs _section_cstart, $3  }
0xc1: {  	[dreg:$0x1] =	wrdreg $0xFFFFFFFF  }
0xc2: {  	_ =	task.clear_ibuf [dreg:s7], $0x2FFFF;
	_ =	strace $0x9FFFFFFF  }
0xc3: {  	(tm) =	ssettm $0x7FFFFFFF  }
tec
execute0_lowered:
.L_overlay_start_1:
0x0: {  	(tag) =	ssettag $0x1  }
0x1: {  	s0 =	rddreg [dreg:$0x0]  }
0x2: {  	s1 =	srdreg.scid;
	s7 =	rddreg [dreg:$0x1]  }
0x3: {  	s2 =	rddreg [dreg:$0x2];
	s12 =	stileid.u32  }
0x4: {  	s3 =	simm.s32 $0x0;
	s15 =	simm.s32 $0x80;
	s16 =	simm.s32 $0x2710  }
0x5: {  	s17 =	simm.s32 $0x4710;
	s18 =	simm.s32 $0x1;
	s19 =	simm.s32 $0x3  }
0x6: {  	s20 =	simm.s32 $0x2;
	s21 =	simm.s32 $0x4;
	s23 =	simm.s32 $0x2608  }
0x7: {  	s28 =	simm.s32 $0x8;
	s29 =	simm.s32 $0x1380;
	s30 =	simm.s32 $0x2688  }
0x8: {  	s31 =	simm.s32 $0x2708;
	s1 =	sand.u32 $0x1, s1;
	s6 =	smul.u32 $0x28000, s12  }
0x9: {  	[smem:$0x7FF] =	sst s3;
	s5 =	sadd.s32 $0x1FE00, s0;
	s26 =	smul.u32 $0xA000, s12  }
0xa: {  	p0 =	seq.s32 s12, $0xF;
	s4 =	sshll.u32 s1, $0x4;
	_ =	strace $0x8000004A  }
0xb: {  	s9 =	ssub.s32 $0x2, s1;
	s1 =	smul.u32 $0x13880, s1;
	s4 =	sor.u32 s12, s4  }
0xc: {  	s10 =	sshrl.u32 s9, $0x1;
	s6 =	sshrl.u32 s6, $0x2;
	s14 =	sadd.s32 s26, s2  }
0xd: {  	s12 =	sshll.u32 @!p0 s12, $0x6;
	s13 =	smul.u32 $0x271, s4;
	s4 =	sadd.s32 $0xC000, s0  }
0xe: {  	s9 =	ssub.s32 s9, s10;
	s11 =	sadd.s32 s6, s2;
	s10 =	sadd.s32 $0x96000, s2  }
0xf: {  	s7 =	sadd.s32 s7, s1;
	s1 =	sshrl.u32 s26, $0x3;
	s25 =	sshrl.u32 @!p0 s14, $0x3  }
0x10: {  	s26 =	simm.s32 $0x1300;
	s11 =	sshrl.u32 @!p0 s11, $0x3;
	s8 =	sadd.s32 s13, s0  }
0x11: {  	s24 =	sadd.s32 @!p0 s1, s7;
	s0 =	sadd.s32 $0x7020, s0;
	s6 =	sadd.s32 $0x2200, s8  }
0x12: {  	s8 =	smax.u32 s9, $0x1;
	s9 =	sshrl.u32 @p0 s10, $0x3;
	s10 =	sor.u32 @!p0 $0x1C05, s12  }
0x13: {  	s12 =	simm.s32 $0x5;
	s13 =	sadd.s32 s13, s0;
	s0 =	simm.s32 $0x0  }
.LBB2_1:
0x14: {  	s1 =	simm.s32 @p0 $0x1FC5  }
0x15: {  	[spmem:s9], [sflag:s1] =	dma.local @p0 [hbm:s5], $0xC80  }
0x16: {  	s1 =	simm.s32 @p0 $0x5  }
0x17: {  	_ =	swait.ge @p0 [sflag:s1], $0xC80  }
0x18: {  	[sflag:s1] =	ssyncset.done @p0 $0x0  }
0x19: {  	[sflag:s1] =	ssyncadd.s32 @p0 $0xFFFFF380;
	s1 =	simm.s32 @!p0 $0x5  }
0x1a: {  	[spmem:s11], [sflag:s10] =	dma.local @!p0 [hbm:s5], $0x1400  }
0x1b: {  	_ =	swait.ge @!p0 [sflag:s1], $0x1400  }
0x1c: {  	[sflag:s1] =	ssyncset.done @!p0 $0x0  }
0x1d: {  	[sflag:s1] =	ssyncadd.s32 @!p0 $0xFFFFEC00  }
0x1e: {  	[tilespmem:s3], [sflag:$0x5] =	stream.linear.gather [hbm4b:s6+s3], $0x1388, $0x38;
	[tilespmem:$0x10350] =	vst v63  }
0x1f: {  	_ =	swait.ge [sflag:s12], $0x1388  }
0x20: {  	[sflag:s12] =	ssyncset.done $0x0  }
0x21: {  	s14 =	simm.s32 $0x1388;
	[sflag:s12] =	ssyncadd.s32 $0xFFFFEC78  }
0x22: {  	[tilespmem:s14], [sflag:$0x5] =	stream.linear.gather [hbm4b:s13+s3], $0x1388, $0x38;
	[tilespmem:$0x10350] =	vst v63  }
0x23: {  	_ =	swait.ge [sflag:s12], $0x1388  }
0x24: {  	[sflag:s12] =	ssyncset.done $0x0  }
0x25: {  	[sflag:s12] =	ssyncadd.s32 $0xFFFFEC78  }
0x26: {  	[bflag:$0x0] =	sbarrier.arrive $0xFFFF  }
0x27: {  	[tilespmem:s16], [sflag:$0x1] =	stream.indirect.gather [hbm4b:s4+s15], $0x40, s3, s15, $0xb8;
	[tilespmem:$0x10350] =	vst v63  }
0x28: {  	_ = 	snop  }
0x29: {  	[tilespmem:s17], [sflag:$0x2] =	stream.indirect.gather [hbm4b:s4+s15], $0x40, s15, s15, $0xb8;
	[tilespmem:$0x10350] =	vst v63  }
0x2a: {  	_ =	swait.ge [sflag:s18], $0x2000  }
0x2b: {  	[sflag:s18] =	ssyncset.done $0x0  }
0x2c: {  	s22 =	simm.s32 $0x1388;
	[sflag:s18] =	ssyncadd.s32 $0xFFFFE000  }
0x2d: {  	[spmem:s2] =	stream.indirect.scatter.add.f32 [tilespmem:s16], [sflag:$0x3], $0x40, s22, s15, $0xb8;
	[tilespmem:$0x10350] =	vst v63  }
0x2e: {  	_ =	swait.ge [sflag:s19], $0x2000  }
0x2f: {  	[sflag:s19] =	ssyncset.done $0x0  }
0x30: {  	s14 =	simm.s32 $0x100;
	[sflag:s19] =	ssyncadd.s32 $0xFFFFE000  }
0x31: {  	[tilespmem:s16], [sflag:$0x1] =	stream.indirect.gather [hbm4b:s4+s15], $0x40, s14, s15, $0xb8;
	[tilespmem:$0x10350] =	vst v63  }
0x32: {  	_ =	swait.ge [sflag:s20], $0x2000  }
0x33: {  	[sflag:s20] =	ssyncset.done $0x0  }
0x34: {  	s22 =	simm.s32 $0x1408;
	[sflag:s20] =	ssyncadd.s32 $0xFFFFE000  }
0x35: {  	[spmem:s2] =	stream.indirect.scatter.add.f32 [tilespmem:s17], [sflag:$0x4], $0x40, s22, s15, $0xb8;
	[tilespmem:$0x10350] =	vst v63  }
0x36: {  	_ =	swait.ge [sflag:s21], $0x2000  }
0x37: {  	[sflag:s21] =	ssyncset.done $0x0  }
0x38: {  	s1 =	simm.s32 $0x400;
	s14 =	simm.s32 $0x180;
	[sflag:s21] =	ssyncadd.s32 $0xFFFFE000  }
.LBB2_2:
0x39: {  	[tilespmem:s17], [sflag:$0x2] =	stream.indirect.gather [hbm4b:s4+s15], $0x40, s14, s15, $0xb8;
	[tilespmem:$0x10350] =	vst v63  }
0x3a: {  	s14 =	smov.u32 s1  }
0x3b: {  	p1 =	sne.s32 s1, $0x4400;
	s1 =	sadd.s32 $0x400, s1;
	_ =	swait.ge [sflag:s18], $0x2000  }
0x3c: {  	s14 =	sshra.s32 s14, $0x2;
	[sflag:s18] =	ssyncset.done $0x0  }
0x3d: {  	s22 =	sadd.s32 $0x1388, s14;
	[sflag:s18] =	ssyncadd.s32 $0xFFFFE000  }
0x3e: {  	[spmem:s2] =	stream.indirect.scatter.add.f32 [tilespmem:s16], [sflag:$0x3], $0x40, s22, s15, $0xb8;
	[tilespmem:$0x10350] =	vst v63  }
0x3f: {  	_ =	swait.ge [sflag:s19], $0x2000  }
0x40: {  	[sflag:s19] =	ssyncset.done $0x0  }
0x41: {  	s22 =	sadd.s32 $0x100, s14;
	[sflag:s19] =	ssyncadd.s32 $0xFFFFE000  }
0x42: {  	[tilespmem:s16], [sflag:$0x1] =	stream.indirect.gather [hbm4b:s4+s15], $0x40, s22, s15, $0xb8;
	[tilespmem:$0x10350] =	vst v63  }
0x43: {  	_ =	swait.ge [sflag:s20], $0x2000  }
0x44: {  	[sflag:s20] =	ssyncset.done $0x0  }
.Ltmp0:
0x45: {  	s22 =	sadd.s32 $0x1408, s14;
	[sflag:s20] =	ssyncadd.s32 $0xFFFFE000;
	(pc) =	sbr.rel @p1 .LBB2_2-.Ltmp0, $4  }
0x46: {  	[spmem:s2] =	stream.indirect.scatter.add.f32 [tilespmem:s17], [sflag:$0x4], $0x40, s22, s15, $0xb8;
	[tilespmem:$0x10350] =	vst v63  }
0x47: {  	_ =	swait.ge [sflag:s21], $0x2000  }
0x48: {  	[sflag:s21] =	ssyncset.done $0x0  }
0x49: {  	s14 =	sadd.s32 $0x180, s14;
	[sflag:s21] =	ssyncadd.s32 $0xFFFFE000  }
0x4a: {  	[tilespmem:s17], [sflag:$0x2] =	stream.indirect.gather [hbm4b:s4+s15], $0x40, s14, s15, $0xb8;
	[tilespmem:$0x10350] =	vst v63  }
0x4b: {  	_ =	swait.ge [sflag:s18], $0x2000  }
0x4c: {  	[sflag:s18] =	ssyncset.done $0x0  }
0x4d: {  	s1 =	simm.s32 $0x2588;
	[sflag:s18] =	ssyncadd.s32 $0xFFFFE000  }
0x4e: {  	[spmem:s2] =	stream.indirect.scatter.add.f32 [tilespmem:s16], [sflag:$0x3], $0x40, s1, s15, $0xb8;
	[tilespmem:$0x10350] =	vst v63  }
0x4f: {  	_ =	swait.ge [sflag:s20], $0x2000  }
0x50: {  	[sflag:s20] =	ssyncset.done $0x0  }
0x51: {  	[sflag:s20] =	ssyncadd.s32 $0xFFFFE000  }
0x52: {  	[spmem:s2] =	stream.indirect.scatter.add.f32 [tilespmem:s17], [sflag:$0x4], $0x40, s23, s15, $0xb8;
	[tilespmem:$0x10350] =	vst v63  }
0x53: {  	_ =	swait.ge [sflag:s19], $0x2000  }
0x54: {  	[sflag:s19] =	ssyncset.done $0x0  }
0x55: {  	[sflag:s19] =	ssyncadd.s32 $0xFFFFE000  }
0x56: {  	_ =	swait.ge [sflag:s21], $0x2000  }
0x57: {  	[sflag:s21] =	ssyncset.done $0x0  }
0x58: {  	[sflag:s21] =	ssyncadd.s32 $0xFFFFE000  }
0x59: {  	[tilespmem:s16], [sflag:$0x1] =	stream.indirect.gather [hbm4b:s4+s15], $0x40, s26, s15, $0xb8;
	[tilespmem:$0x10350] =	vst v63  }
0x5a: {  	_ = 	snop  }
0x5b: {  	[tilespmem:s17], [sflag:$0x2] =	stream.indirect.gather [hbm4b:s4+s28], $0x40, s29, s28, $0xb8;
	[tilespmem:$0x10350] =	vst v63  }
0x5c: {  	_ =	swait.ge [sflag:s18], $0x2000  }
0x5d: {  	[sflag:s18] =	ssyncset.done $0x0  }
0x5e: {  	[sflag:s18] =	ssyncadd.s32 $0xFFFFE000  }
0x5f: {  	[spmem:s2] =	stream.indirect.scatter.add.f32 [tilespmem:s16], [sflag:$0x3], $0x40, s30, s15, $0xb8;
	[tilespmem:$0x10350] =	vst v63  }
0x60: {  	_ =	swait.ge [sflag:s20], $0x200  }
0x61: {  	[sflag:s20] =	ssyncset.done $0x0  }
0x62: {  	[sflag:s20] =	ssyncadd.s32 $0xFFFFFE00  }
0x63: {  	[spmem:s2] =	stream.indirect.scatter.add.f32 [tilespmem:s17], [sflag:$0x4], $0x40, s31, s28, $0xb8;
	[tilespmem:$0x10350] =	vst v63  }
0x64: {  	_ =	swait.ge [sflag:s19], $0x2000  }
0x65: {  	[sflag:s19] =	ssyncset.done $0x0  }
0x66: {  	[sflag:s19] =	ssyncadd.s32 $0xFFFFE000  }
0x67: {  	_ =	swait.ge [sflag:s21], $0x200  }
0x68: {  	[sflag:s21] =	ssyncset.done $0x0  }
0x69: {  	[sflag:s21] =	ssyncadd.s32 $0xFFFFFE00  }
0x6a: {  	s14 =	simm.s32 @p0 $0x1FC5;
	s1 =	sadd.s32 @p0 $0x12C00, s7;
	[bflag:$0x0] =	sbarrier.arrive $0xFFFF  }
0x6b: {  	[hbm:s1], [sflag:s14] =	dma.local @p0 [spmem:s9], $0xC80  }
0x6c: {  	s1 =	simm.s32 @p0 $0x5  }
0x6d: {  	s0 =	sadd.s32 $0x1, s0;
	_ =	swait.ge @p0 [sflag:s1], $0xC80  }
0x6e: {  	p1 =	sne.s32 s0, s8;
	[sflag:s1] =	ssyncset.done @p0 $0x0  }
.Ltmp1:
0x6f: {  	[sflag:s1] =	ssyncadd.s32 @p0 $0xFFFFF380;
	s1 =	simm.s32 @!p0 $0x5;
	(pc) =	sbr.rel @p1 .LBB2_1-.Ltmp1, $4  }
0x70: {  	[hbm:s24], [sflag:s10] =	dma.local @!p0 [spmem:s25], $0x1400  }
0x71: {  	_ =	swait.ge @!p0 [sflag:s1], $0x1400  }
0x72: {  	[sflag:s1] =	ssyncset.done @!p0 $0x0  }
0x73: {  	[sflag:s1] =	ssyncadd.s32 @!p0 $0xFFFFEC00  }
0x74: {  	_ =	sfence.sel $0x180000  }
0x75: {  	[bflag:$0x0] =	sbarrier.arrive $0xFFFF  }
0x76: {  	_ =	strace $0x9000004A  }
0x77: {  	s0 =	stileid.u32;
	[bflag:$0x2] =	sbarrier.arrive $0xFFFF  }
0x78: {  	p0 =	sne.s32 s0, $0x0;
	s0 =	rddreg [dreg:$0x3]  }
0x79: {  	s0 =	sadd.s32 @!p0 $0x100000, s0  }
0x7a: {  	[sflag:s0] =	ssyncadd.tile.s32 @!p0 $0x1;
	_ =	shalt  }
.Lfunc_end2:
_tile_overlayer_lowered:
.L_overlay_start_2:
0x7b: {  	(tag) =	ssettag $0x2  }
0x7c: {  	s0 =	rddreg [dreg:$0x0];
	s2 =	stileid.u32  }
0x7d: {  	s1 =	rddreg [dreg:$0x1];
	p0 =	sne.s32 s2, $0x0  }
0x7e: {  	s3 =	rddreg [dreg:$0x2];
	[bflag:$0x3] =	sbarrier.arrive $0xFFFF;
	s2 =	simm.s32 @!p0 $0x1C05  }
0x7f: {  	[timem:s3], [sflag:s2] =	dma.local @!p0 [hbm:s0], s1  }
0x80: {  	s0 =	simm.s32 @!p0 $0x5  }
0x81: {  	_ =	swait.ge @!p0 [sflag:s0], s1  }
0x82: {  	s1 =	ssub.s32 @!p0 $0x0, s1;
	[sflag:s0] =	ssyncset.done @!p0 $0x0  }
0x83: {  	[sflag:s0] =	ssyncadd.s32 @!p0 s1  }
0x84: {  	[bflag:$0x3] =	sbarrier.arrive $0xFFFF  }
0x85: {  	_ =	shalt  }

// kernel: kernel.7.cloned.1.call-start
scs
__scs_entry_jumppad:
0x0: {  	(pc) =	sbr.rel $0x88, $3  }
0x1: {  	(tag) =	ssettag $0x0;
	lr =	simm.s32 $0x1  }
0x2: {  	[smem:$0x3F95] =	sst lr;
	_ =	strace $0xD0000000  }
0x3: {  	_ = 	snop  }
0x4: {  	_ = 	snop  }
0x5: {  	_ = 	snop  }
0x6: {  	_ = 	snop  }
0x7: {  	_ = 	snop  }
__scs_overlays_trampoline_lowered:
0x8: {  	[smem:$0x3FA4] =	sst s0  }
0x9: {  	[smem:$0x3FA5] =	sst s1  }
0xa: {  	[smem:$0x3FA6] =	sst s2  }
0xb: {  	[smem:$0x3FA7] =	sst s3  }
0xc: {  	[smem:$0x3FA8] =	sst s4  }
0xd: {  	[smem:$0x3FA9] =	sst s5  }
0xe: {  	[smem:$0x3FAA] =	sst s6  }
0xf: {  	[smem:$0x3FAB] =	sst s7  }
0x10: {  	[smem:$0x3FAC] =	sst s8  }
0x11: {  	[smem:$0x3FAD] =	sst s9;
	s0 =	simm.s32 @!p0 $0x0  }
0x12: {  	s1 =	sld [smem:$0x3F93];
	s0 =	simm.s32 @p0 $0x1  }
0x13: {  	[smem:$0x3FAE] =	sst s0;
	s0 =	simm.s32 @!p1 $0x0  }
0x14: {  	s2 =	sld [smem:$0x3F92];
	s0 =	simm.s32 @p1 $0x1  }
0x15: {  	[smem:$0x3FAF] =	sst s0;
	s0 =	simm.s32 @!p2 $0x0  }
0x16: {  	s3 =	sld [smem:$0x3FDB];
	s0 =	simm.s32 @p2 $0x1  }
0x17: {  	s4 =	simm.s32 $0x1BF5;
	[smem:$0x3FB1] =	sst s0  }
0x18: {  	s0 =	sld [smem:$0x3F94];
	_ =	swait.ge [sflag:s4], $0x0  }
0x19: {  	s7 =	sld [smem:$0x3F95]  }
0x1a: {  	s8 =	sadd.s32 $0xFFFFE003, lr  }
0x1b: {  	s9 =	sadd.s32 $0xFFFFFEF7, lr;
	s5 =	simm.s32 $0xFFFFFFFF;
	p2 =	slt.u32 s8, $0xFFFFF086  }
0x1c: {  	p1 =	slt.u32 s9, $0xF7A;
	s5 =	simm.s32 @!p2 $0x0  }
0x1d: {  	s5 =	simm.s32 @p1 $0x1;
	p0 =	seq.s32 s7, s2  }
0x1e: {  	s7 =	smul.u32 @!p0 $0xF7A, s2;
	p2 =	seq.s32 @!p0 s5, $0x0  }
0x1f: {  	s9 =	smul.u32 $0xF7A, s1;
	s8 =	simm.s32 @!p0 $0x1BF5;
	p2 =	por !p2, p0  }
0x20: {  	[sflag:s8] =	ssyncset.s32 @!p0 $0xFFFFF086;
	s6 =	sadd.s32 @!p0 s3, s7;
	s7 =	simm.s32 @!p0 $0x108  }
0x21: {  	s3 =	sadd.s32 s3, s9;
	s6 =	sadd.s32 @!p0 $0x88, s6;
	s7 =	simm.s32 @p2 $0x1082  }
0x22: {  	[simem:s7], [sflag:s8] =	dma.local @!p0 [hbm:s6], $0xF7A  }
0x23: {  	s9 =	sor.u32 $0xD0000000, s2;
	s6 =	simm.s32 $0x108;
	_ =	swait.ge @!p0 [sflag:s8], $0x0  }
0x24: {  	s3 =	sadd.s32 $0x88, s3;
	s6 =	simm.s32 @!p1 $0x1082;
	[sflag:s4] =	ssyncset.s32 $0xFFFFF086  }
0x25: {  	[simem:s6], [sflag:s4] =	dma.local [hbm:s3], $0xF7A  }
0x26: {  	[smem:$0x3F95] =	sst s1;
	(tag) =	ssettag s2;
	_ =	strace s9  }
0x27: {  	s1 =	sld [smem:$0x3FA5]  }
0x28: {  	s2 =	sld [smem:$0x3FA6]  }
0x29: {  	s4 =	sld [smem:$0x3FA8]  }
0x2a: {  	p0 =	seq.s32 s5, $0x0;
	s5 =	sld [smem:$0x3FA9]  }
0x2b: {  	s6 =	sld [smem:$0x3FAA]  }
0x2c: {  	s7 =	sld [smem:$0x3FAB]  }
0x2d: {  	s3 =	simm.s32 $0x108;
	s8 =	sld [smem:$0x3FAC]  }
0x2e: {  	s3 =	simm.s32 @!p0 $0x1082;
	s9 =	sld [smem:$0x3FAD]  }
0x2f: {  	lr =	sadd.s32 s0, s3;
	s0 =	sld [smem:$0x3FA4]  }
0x30: {  	s3 =	sld [smem:$0x3FA7]  }
0x31: {  	[smem:$0x3FB0] =	sst s10  }
0x32: {  	s10 =	sld [smem:$0x3FAE];
	_ =	sdelay $0x3  }
0x33: {  	p0 =	seq.s32 s10, $0x1;
	s10 =	sld [smem:$0x3FB0];
	_ =	sdelay $0x3  }
0x34: {  	[smem:$0x3FB0] =	sst s10  }
0x35: {  	s10 =	sld [smem:$0x3FAF];
	_ =	sdelay $0x3  }
0x36: {  	p1 =	seq.s32 s10, $0x1;
	s10 =	sld [smem:$0x3FB0];
	_ =	sdelay $0x3  }
0x37: {  	[smem:$0x3FB0] =	sst s10  }
0x38: {  	s10 =	sld [smem:$0x3FB1]  }
0x39: {  	_ = 	snop;
	(pc) =	sbr.ind lr, $3  }
0x3a: {  	_ = 	snop  }
0x3b: {  	_ = 	snop  }
0x3c: {  	p2 =	seq.s32 s10, $0x1;
	s10 =	sld [smem:$0x3FB0]  }
0x3d: {  	_ =	shalt  }
0x3e: {  	_ =	shalt  }
0x3f: {  	_ =	shalt  }
0x40: {  	_ =	shalt  }
0x41: {  	_ =	shalt  }
0x42: {  	_ =	shalt  }
0x43: {  	_ =	shalt  }
0x44: {  	_ =	shalt  }
0x45: {  	_ =	shalt  }
0x46: {  	_ =	shalt  }
0x47: {  	_ =	shalt  }
0x48: {  	_ =	shalt  }
0x49: {  	_ =	shalt  }
0x4a: {  	_ =	shalt  }
0x4b: {  	_ =	shalt  }
0x4c: {  	_ =	shalt  }
0x4d: {  	_ =	shalt  }
0x4e: {  	_ =	shalt  }
0x4f: {  	_ =	shalt  }
0x50: {  	_ =	shalt  }
0x51: {  	_ =	shalt  }
0x52: {  	_ =	shalt  }
0x53: {  	_ =	shalt  }
0x54: {  	_ =	shalt  }
0x55: {  	_ =	shalt  }
0x56: {  	_ =	shalt  }
0x57: {  	_ =	shalt  }
0x58: {  	_ =	shalt  }
0x59: {  	_ =	shalt  }
0x5a: {  	_ =	shalt  }
0x5b: {  	_ =	shalt  }
0x5c: {  	_ =	shalt  }
0x5d: {  	_ =	shalt  }
0x5e: {  	_ =	shalt  }
0x5f: {  	_ =	shalt  }
0x60: {  	_ =	shalt  }
0x61: {  	_ =	shalt  }
0x62: {  	_ =	shalt  }
0x63: {  	_ =	shalt  }
0x64: {  	_ =	shalt  }
0x65: {  	_ =	shalt  }
0x66: {  	_ =	shalt  }
0x67: {  	_ =	shalt  }
0x68: {  	_ =	shalt  }
0x69: {  	_ =	shalt  }
0x6a: {  	_ =	shalt  }
0x6b: {  	_ =	shalt  }
0x6c: {  	_ =	shalt  }
0x6d: {  	_ =	shalt  }
0x6e: {  	_ =	shalt  }
0x6f: {  	_ =	shalt  }
0x70: {  	_ =	shalt  }
0x71: {  	_ =	shalt  }
0x72: {  	_ =	shalt  }
0x73: {  	_ =	shalt  }
0x74: {  	_ =	shalt  }
0x75: {  	_ =	shalt  }
0x76: {  	_ =	shalt  }
0x77: {  	_ =	shalt  }
0x78: {  	_ =	shalt  }
0x79: {  	_ =	shalt  }
0x7a: {  	_ =	shalt  }
0x7b: {  	_ =	shalt  }
0x7c: {  	_ =	shalt  }
0x7d: {  	_ =	shalt  }
0x7e: {  	_ =	shalt  }
0x7f: {  	_ =	shalt  }
0x80: {  	_ =	shalt  }
0x81: {  	_ =	shalt  }
0x82: {  	_ =	shalt  }
0x83: {  	_ =	shalt  }
0x84: {  	_ =	shalt  }
0x85: {  	_ =	shalt  }
0x86: {  	_ =	shalt  }
0x87: {  	_ =	shalt  }
.Lfunc_end0:
.L_simem_size_0:
called_computation_lowered:
.L_overlay_start_0:
0x88: {  	s2 =	sld [smem:$0x3FD9]  }
0x89: {  	s3 =	sld [smem:$0x3FFE];
	_ =	sdelay $0x1  }
0x8a: {  	s1 =	srdreg.scid  }
0x8b: {  	s0 =	sand.u32 $0x1, s1  }
0x8c: {  	s17 =	sshll.u32 s0, $0xA;
	s2 =	sadd.s32 s3, s2  }
0x8d: {  	s2 =	sadd.s32 s2, s17  }
0x8e: {  	[smem:$0x3FBC] =	sst s2  }
0x8f: {  	_ = 	snop  }
0x90: {  	s2 =	sld [smem:$0x3FD0];
	(tm) =	ssettm $0x1  }
0x91: {  	s18 =	sld [smem:$0x3FFB];
	_ =	sdelay $0x3  }
0x92: {  	_ =	strace s18  }
0x93: {  	s3 =	sld [smem:$0x3FFC];
	_ =	sdelay $0x3  }
0x94: {  	_ =	strace s3  }
0x95: {  	s3 =	sld [smem:$0x3FFD];
	_ =	sdelay $0x3  }
0x96: {  	_ =	strace s3  }
0x97: {  	_ =	strace $0x8FFFFFFF  }
0x98: {  	s19 =	sld [smem:$0x3FDB];
	_ =	sdelay $0x1  }
0x99: {  	s4 =	simm.s32 $_scs_section_size  }
0x9a: {  	s5 =	simm.s32 $_size__tile_overlayer_lowered;
	s6 =	simm.s32 $_tile_overlayer_lowered  }
0x9b: {  	s22 =	simm.s32 $0x1BFF;
	s21 =	sshll.u32 s6, $0x1;
	s3 =	sadd.s32 s4, s19  }
0x9c: {  	s7 =	simm.s32 $0x0;
	s20 =	sshll.u32 s5, $0x1;
	s5 =	sadd.s32 s21, s3  }
0x9d: {  	[timem:s7], [sflag:s22] =	dma.local [hbm:s5], s20  }
0x9e: {  	_ =	swait.ge [sflag:s22], s20  }
0x9f: {  	s4 =	ssub.s32 $0x0, s20;
	[sflag:s22] =	ssyncset.done $0x0  }
0xa0: {  	[sflag:s22] =	ssyncadd.s32 s4;
	_ =	sdelay $0x1  }
0xa1: {  	s23 =	simm.s32 $0x1B8B  }
0xa2: {  	_ =	swait.ge [sflag:s23], $0x1  }
0xa3: {  	[sflag:s23] =	ssyncset.done $0x0  }
0xa4: {  	s25 =	simm.s32 $0x1B8E;
	s24 =	sld [smem:$0x3FFE];
	[sflag:s23] =	ssyncadd.s32 $0xFFFFFFFF  }
0xa5: {  	s26 =	simm.s32 $execute0_lowered;
	[smem:$0x3FD2] =	sst s25  }
0xa6: {  	s5 =	sshll.u32 s26, $0x1;
	_ =	strace $0x80000046;
	[dreg:$0x1] =	wrdreg $0xFFFFFFFF  }
0xa7: {  	s28 =	simm.s32 $_size_execute0_lowered;
	s3 =	sadd.s32 s3, s5;
	[dreg:$0x0] =	wrdreg $0x0  }
0xa8: {  	s5 =	sshll.u32 s28, $0x1;
	[dreg:$0x2] =	wrdreg s3  }
0xa9: {  	[dreg:$0x3] =	wrdreg s5  }
0xaa: {  	[dreg:$0x4] =	wrdreg $0xC0  }
0xab: {  	_ =	task [dreg:s7], $0x5FFFF  }
0xac: {  	[dreg:$0x1] =	wrdreg $0xFFFFFFFF  }
0xad: {  	[dreg:$0x0] =	wrdreg $0x60  }
0xae: {  	[dreg:$0x2] =	wrdreg s24  }
0xaf: {  	[dreg:$0x3] =	wrdreg s2  }
0xb0: {  	[dreg:$0x4] =	wrdreg $0x6A100  }
0xb1: {  	[dreg:$0x5] =	wrdreg $0x106500  }
0xb2: {  	[dreg:$0x6] =	wrdreg $0x9  }
0xb3: {  	_ =	task.clear_ibuf [dreg:s7], $0x7FFFF;
	_ =	strace $0x90000046  }
0xb4: {  	s29 =	simm.s32 $0x9;
	_ =	strace $0x80000048  }
0xb5: {  	_ =	swait.ge [sflag:s29], $0x1  }
0xb6: {  	[sflag:s29] =	ssyncadd.s32 $0xFFFFFFFF  }
0xb7: {  	_ =	strace $0x90000048  }
0xb8: {  	_ =	sfence  }
0xb9: {  	s30 =	sld [smem:$0x0];
	_ =	sdelay $0x2  }
0xba: {  	s31 =	sshll.u32 s1, $0xD;
	s1 =	sshrl.u32 s1, $0x2  }
0xbb: {  	s3 =	sand.u32 $0x4000, s31;
	s1 =	sadd.s32 s1, s30  }
0xbc: {  	s0 =	sor.u32 s3, s0;
	s1 =	sshll.u32 s1, $0x11  }
0xbd: {  	s0 =	sor.u32 s1, s0  }
0xbe: {  	s0 =	sadd.s32 $0x8F2B, s0  }
0xbf: {  	[sflag:s0] =	ssyncadd.remote.s32 $0x1  }
0xc0: {  	_ =	sfence.sel $0xFFFF  }
0xc1: {  	[dreg:$0x0] =	wrdreg $0xFFFFFFFF;
	(pc) =	sbr.abs _section_cstart, $3  }
0xc2: {  	[dreg:$0x1] =	wrdreg $0xFFFFFFFF  }
0xc3: {  	_ =	task.clear_ibuf [dreg:s7], $0x2FFFF;
	_ =	strace $0x9FFFFFFF  }
0xc4: {  	(tm) =	ssettm $0x7FFFFFFF  }
0xc5: {  	_ =	shalt  }
tec
execute0_lowered:
.L_overlay_start_1:
0x0: {  	(tag) =	ssettag $0x1  }
0x1: {  	s0 =	rddreg [dreg:$0x0]  }
0x2: {  	s1 =	rddreg [dreg:$0x1];
	s3 =	srdreg.scid  }
0x3: {  	s2 =	rddreg [dreg:$0x2];
	s16 =	stileid.u32  }
0x4: {  	s4 =	simm.s32 $0x0;
	s28 =	simm.s32 $0x2710;
	s29 =	simm.s32 $0x4710  }
0x5: {  	s30 =	simm.s32 $0x1;
	s7 =	sand.u32 $0x1, s3;
	s3 =	rddreg [dreg:$0x3]  }
0x6: {  	s31 =	simm.s32 $0x3;
	[smem:$0x7FF] =	sst s4;
	s6 =	sadd.s32 $0x1FE00, s0  }
0x7: {  	s10 =	sadd.s32 $0x1FC00, s0;
	s14 =	sadd.s32 $0x1FA00, s0;
	s11 =	smul.u32 $0x28000, s16  }
0x8: {  	s12 =	sadd.s32 $0x21200, s0;
	s20 =	sadd.s32 $0x96000, s2;
	s21 =	smul.u32 $0xA000, s16  }
0x9: {  	s22 =	smul.u32 $0x280, s16;
	p0 =	seq.s32 s16, $0xF;
	s5 =	sshll.u32 s7, $0x4  }
0xa: {  	_ =	strace $0x80000047;
	[dreg:$0x6] =	wrdreg s14;
	s14 =	smul.u32 $0xA00, s16  }
0xb: {  	[dreg:$0x5] =	wrdreg s10;
	s15 =	ssub.s32 $0x2, s7;
	s17 =	smul.u32 $0x2710, s7  }
0xc: {  	s7 =	smul.u32 $0x13880, s7;
	[dreg:$0x8] =	wrdreg s20;
	s5 =	sor.u32 s16, s5  }
0xd: {  	s13 =	sshrl.u32 s15, $0x1;
	s11 =	sshrl.u32 s11, $0x2;
	s8 =	smul.u32 $0x271, s5  }
0xe: {  	s5 =	sadd.s32 $0xC000, s0;
	s10 =	ssub.s32 s15, s13;
	s15 =	sadd.s32 s11, s2  }
0xf: {  	s19 =	sshrl.u32 s14, $0x2;
	s18 =	sadd.s32 s1, s7;
	s1 =	sshrl.u32 s21, $0x3  }
0x10: {  	s7 =	sadd.s32 s21, s2;
	s23 =	sadd.s32 s22, s17;
	s13 =	sshrl.u32 s17, $0x3  }
0x11: {  	s11 =	sadd.s32 s19, s3;
	s24 =	sshrl.u32 s23, $0x3;
	s13 =	sadd.s32 s12, s13  }
0x12: {  	s26 =	smax.u32 s10, $0x1;
	s19 =	simm.s32 $0x5;
	s20 =	sshrl.u32 @!p0 s15, $0x3  }
0x13: {  	s23 =	simm.s32 $0x6710;
	s17 =	smov.u32 s18;
	s10 =	simm.s32 $0x0  }
0x14: {  	s9 =	sadd.s32 s8, s0;
	[dreg:$0x7] =	wrdreg s11;
	s11 =	sadd.s32 $0x2580, s3  }
0x15: {  	s0 =	sadd.s32 $0x7020, s0;
	s25 =	sadd.s32 $0x4B0, s13;
	[dreg:$0xd] =	wrdreg s26  }
0x16: {  	s26 =	simm.s32 $0x80;
	s9 =	sadd.s32 $0x2200, s9;
	[dreg:$0xc] =	wrdreg s25  }
0x17: {  	s21 =	sadd.s32 s8, s0;
	s25 =	sshrl.u32 @!p0 s7, $0x3;
	s0 =	simm.s32 $0x2  }
0x18: {  	s7 =	simm.s32 $0x8;
	[dreg:$0x9] =	wrdreg s9;
	s9 =	sadd.s32 s22, s3  }
0x19: {  	s8 =	simm.s32 $0x2688;
	s22 =	simm.s32 $0x2588;
	[dreg:$0xa] =	wrdreg s9  }
0x1a: {  	s9 =	sadd.s32 s12, s24;
	s24 =	sadd.s32 @!p0 s1, s18;
	s18 =	simm.s32 $0x4  }
0x1b: {  	s1 =	simm.s32 $0x2608;
	[dreg:$0xb] =	wrdreg s9;
	s9 =	simm.s32 $0x2708  }
.LBB2_1:
0x1c: {  	s12 =	rddreg [dreg:$0x5];
	s13 =	simm.s32 $0x6790  }
0x1d: {  	[tilespmem:s13], [sflag:$0x5] =	stream.linear.gather [hbm4b:s12+s4], $0x280, $0x38;
	[tilespmem:$0x108C8] =	vst v63  }
0x1e: {  	_ =	swait.ge [sflag:s19], $0x280  }
0x1f: {  	[sflag:s19] =	ssyncset.done $0x0;
	s12 =	rddreg [dreg:$0x8]  }
0x20: {  	[sflag:s19] =	ssyncadd.s32 $0xFFFFFD80;
	s14 =	sshrl.u32 @p0 s12, $0x3;
	s12 =	simm.s32 @p0 $0x1FC5  }
0x21: {  	[spmem:s14], [sflag:s12] =	dma.local @p0 [hbm:s6], $0xC80  }
0x22: {  	s12 =	simm.s32 @p0 $0x5  }
0x23: {  	_ =	swait.ge @p0 [sflag:s12], $0xC80  }
0x24: {  	[sflag:s12] =	ssyncset.done @p0 $0x0  }
0x25: {  	s13 =	simm.s32 @p0 $0x6790;
	[sflag:s12] =	ssyncadd.s32 @p0 $0xFFFFF380  }
0x26: {  	[spmem:s11] =	stream.linear.scatter @p0 [tilespmem:s13], [sflag:$0x5], $0x190, $0x38;
	[tilespmem:$0x108C8] =	vst v63  }
0x27: {  	s13 =	stileid.u32;
	_ =	swait.ge @p0 [sflag:s12], $0x190  }
0x28: {  	s13 =	sshll.u32 @!p0 s13, $0x6;
	[sflag:s12] =	ssyncset.done @p0 $0x0  }
0x29: {  	[sflag:s12] =	ssyncadd.s32 @p0 $0xFFFFFE70;
	s12 =	sor.u32 @!p0 $0x1C05, s13;
	s13 =	simm.s32 @!p0 $0x5  }
0x2a: {  	[spmem:s20], [sflag:s12] =	dma.local @!p0 [hbm:s6], $0x1400  }
0x2b: {  	_ =	swait.ge @!p0 [sflag:s13], $0x1400  }
0x2c: {  	[sflag:s13] =	ssyncset.done @!p0 $0x0  }
0x2d: {  	s15 =	simm.s32 @!p0 $0x6790;
	s16 =	rddreg [dreg:$0x7];
	[sflag:s13] =	ssyncadd.s32 @!p0 $0xFFFFEC00  }
0x2e: {  	[spmem:s16] =	stream.linear.scatter @!p0 [tilespmem:s15], [sflag:$0x5], $0x280, $0x38;
	[tilespmem:$0x108C8] =	vst v63  }
0x2f: {  	_ =	swait.ge @!p0 [sflag:s13], $0x280  }
0x30: {  	[sflag:s13] =	ssyncset.done @!p0 $0x0  }
0x31: {  	s15 =	rddreg [dreg:$0x9];
	[sflag:s13] =	ssyncadd.s32 @!p0 $0xFFFFFD80  }
0x32: {  	[tilespmem:s4], [sflag:$0x5] =	stream.linear.gather [hbm4b:s15+s4], $0x1388, $0x38;
	[tilespmem:$0x108C8] =	vst v63  }
0x33: {  	_ =	swait.ge [sflag:s19], $0x1388  }
0x34: {  	[sflag:s19] =	ssyncset.done $0x0  }
0x35: {  	s16 =	simm.s32 $0x1388;
	[sflag:s19] =	ssyncadd.s32 $0xFFFFEC78  }
0x36: {  	[tilespmem:s16], [sflag:$0x5] =	stream.linear.gather [hbm4b:s21+s4], $0x1388, $0x38;
	[tilespmem:$0x108C8] =	vst v63  }
0x37: {  	_ =	swait.ge [sflag:s19], $0x1388  }
0x38: {  	[sflag:s19] =	ssyncset.done $0x0  }
0x39: {  	s15 =	rddreg [dreg:$0x6];
	[sflag:s19] =	ssyncadd.s32 $0xFFFFEC78  }
0x3a: {  	[tilespmem:s23], [sflag:$0x5] =	stream.linear.gather [hbm4b:s15+s4], $0x80, $0x38;
	[tilespmem:$0x108C8] =	vst v63  }
0x3b: {  	_ =	swait.ge [sflag:s19], $0x80  }
0x3c: {  	[sflag:s19] =	ssyncset.done $0x0  }
0x3d: {  	[sflag:s19] =	ssyncadd.s32 $0xFFFFFF80  }
0x3e: {  	[bflag:$0x0] =	sbarrier.arrive $0xFFFF  }
0x3f: {  	[tilespmem:s28], [sflag:$0x1] =	stream.indirect.gather [hbm4b:s5+s26], $0x40, s4, s26, $0xb8;
	[tilespmem:$0x108C8] =	vst v63  }
0x40: {  	_ = 	snop  }
0x41: {  	[tilespmem:s29], [sflag:$0x2] =	stream.indirect.gather [hbm4b:s5+s26], $0x40, s26, s26, $0xb8;
	[tilespmem:$0x108C8] =	vst v63  }
0x42: {  	_ =	swait.ge [sflag:s30], $0x2000  }
0x43: {  	[sflag:s30] =	ssyncset.done $0x0  }
0x44: {  	s16 =	simm.s32 $0x1388;
	[sflag:s30] =	ssyncadd.s32 $0xFFFFE000  }
0x45: {  	[spmem:s2] =	stream.indirect.scatter.add.f32 [tilespmem:s28], [sflag:$0x3], $0x40, s16, s26, $0xb8;
	[tilespmem:$0x108C8] =	vst v63  }
0x46: {  	_ = 	snop  }
0x47: {  	[spmem:s3] =	stream.indirect.scatter.add.f32 [tilespmem:s23], [sflag:$0x5], $0x1, s16, s26, $0xb8;
	[tilespmem:$0x108C8] =	vst v63  }
0x48: {  	_ =	swait.ge [sflag:s19], $0x80  }
0x49: {  	[sflag:s19] =	ssyncset.done $0x0  }
0x4a: {  	[sflag:s19] =	ssyncadd.s32 $0xFFFFFF80  }
0x4b: {  	_ =	swait.ge [sflag:s31], $0x2000  }
0x4c: {  	[sflag:s31] =	ssyncset.done $0x0  }
0x4d: {  	s15 =	simm.s32 $0x100;
	[sflag:s31] =	ssyncadd.s32 $0xFFFFE000  }
0x4e: {  	[tilespmem:s28], [sflag:$0x1] =	stream.indirect.gather [hbm4b:s5+s26], $0x40, s15, s26, $0xb8;
	[tilespmem:$0x108C8] =	vst v63  }
0x4f: {  	_ =	swait.ge [sflag:s0], $0x2000  }
0x50: {  	[sflag:s0] =	ssyncset.done $0x0  }
0x51: {  	s16 =	simm.s32 $0x1408;
	[sflag:s0] =	ssyncadd.s32 $0xFFFFE000  }
0x52: {  	[spmem:s2] =	stream.indirect.scatter.add.f32 [tilespmem:s29], [sflag:$0x4], $0x40, s16, s26, $0xb8;
	[tilespmem:$0x108C8] =	vst v63  }
0x53: {  	_ = 	snop  }
0x54: {  	[spmem:s3] =	stream.indirect.scatter.add.f32 [tilespmem:s23], [sflag:$0x5], $0x1, s16, s26, $0xb8;
	[tilespmem:$0x108C8] =	vst v63  }
0x55: {  	_ =	swait.ge [sflag:s19], $0x80  }
0x56: {  	[sflag:s19] =	ssyncset.done $0x0  }
0x57: {  	[sflag:s19] =	ssyncadd.s32 $0xFFFFFF80  }
0x58: {  	_ =	swait.ge [sflag:s18], $0x2000  }
0x59: {  	[sflag:s18] =	ssyncset.done $0x0  }
0x5a: {  	s13 =	simm.s32 $0x180;
	s15 =	simm.s32 $0x400;
	[sflag:s18] =	ssyncadd.s32 $0xFFFFE000  }
.LBB2_2:
0x5b: {  	[tilespmem:s29], [sflag:$0x2] =	stream.indirect.gather [hbm4b:s5+s26], $0x40, s13, s26, $0xb8;
	[tilespmem:$0x108C8] =	vst v63  }
0x5c: {  	s13 =	smov.u32 s15  }
0x5d: {  	p1 =	sne.s32 s15, $0x4400;
	s15 =	sadd.s32 $0x400, s15;
	_ =	swait.ge [sflag:s30], $0x2000  }
0x5e: {  	s13 =	sshra.s32 s13, $0x2;
	[sflag:s30] =	ssyncset.done $0x0  }
0x5f: {  	s16 =	sadd.s32 $0x1388, s13;
	[sflag:s30] =	ssyncadd.s32 $0xFFFFE000  }
0x60: {  	[spmem:s2] =	stream.indirect.scatter.add.f32 [tilespmem:s28], [sflag:$0x3], $0x40, s16, s26, $0xb8;
	[tilespmem:$0x108C8] =	vst v63  }
0x61: {  	_ = 	snop  }
0x62: {  	[spmem:s3] =	stream.indirect.scatter.add.f32 [tilespmem:s23], [sflag:$0x5], $0x1, s16, s26, $0xb8;
	[tilespmem:$0x108C8] =	vst v63  }
0x63: {  	_ =	swait.ge [sflag:s19], $0x80  }
0x64: {  	[sflag:s19] =	ssyncset.done $0x0  }
0x65: {  	[sflag:s19] =	ssyncadd.s32 $0xFFFFFF80  }
0x66: {  	_ =	swait.ge [sflag:s31], $0x2000  }
0x67: {  	[sflag:s31] =	ssyncset.done $0x0  }
0x68: {  	s16 =	sadd.s32 $0x100, s13;
	[sflag:s31] =	ssyncadd.s32 $0xFFFFE000  }
0x69: {  	[tilespmem:s28], [sflag:$0x1] =	stream.indirect.gather [hbm4b:s5+s26], $0x40, s16, s26, $0xb8;
	[tilespmem:$0x108C8] =	vst v63  }
0x6a: {  	_ =	swait.ge [sflag:s0], $0x2000  }
0x6b: {  	[sflag:s0] =	ssyncset.done $0x0  }
0x6c: {  	s16 =	sadd.s32 $0x1408, s13;
	[sflag:s0] =	ssyncadd.s32 $0xFFFFE000  }
0x6d: {  	[spmem:s2] =	stream.indirect.scatter.add.f32 [tilespmem:s29], [sflag:$0x4], $0x40, s16, s26, $0xb8;
	[tilespmem:$0x108C8] =	vst v63  }
0x6e: {  	_ = 	snop  }
0x6f: {  	[spmem:s3] =	stream.indirect.scatter.add.f32 [tilespmem:s23], [sflag:$0x5], $0x1, s16, s26, $0xb8;
	[tilespmem:$0x108C8] =	vst v63  }
0x70: {  	_ =	swait.ge [sflag:s19], $0x80  }
.Ltmp0:
0x71: {  	[sflag:s19] =	ssyncset.done $0x0;
	(pc) =	sbr.rel @p1 .LBB2_2-.Ltmp0, $4  }
0x72: {  	[sflag:s19] =	ssyncadd.s32 $0xFFFFFF80  }
0x73: {  	_ =	swait.ge [sflag:s18], $0x2000  }
0x74: {  	[sflag:s18] =	ssyncset.done $0x0  }
0x75: {  	s13 =	sadd.s32 $0x180, s13;
	[sflag:s18] =	ssyncadd.s32 $0xFFFFE000  }
0x76: {  	[tilespmem:s29], [sflag:$0x2] =	stream.indirect.gather [hbm4b:s5+s26], $0x40, s13, s26, $0xb8;
	[tilespmem:$0x108C8] =	vst v63  }
0x77: {  	_ =	swait.ge [sflag:s30], $0x2000  }
0x78: {  	[sflag:s30] =	ssyncset.done $0x0  }
0x79: {  	[sflag:s30] =	ssyncadd.s32 $0xFFFFE000  }
0x7a: {  	[spmem:s2] =	stream.indirect.scatter.add.f32 [tilespmem:s28], [sflag:$0x3], $0x40, s22, s26, $0xb8;
	[tilespmem:$0x108C8] =	vst v63  }
0x7b: {  	_ = 	snop  }
0x7c: {  	[spmem:s3] =	stream.indirect.scatter.add.f32 [tilespmem:s23], [sflag:$0x5], $0x1, s22, s26, $0xb8;
	[tilespmem:$0x108C8] =	vst v63  }
0x7d: {  	_ =	swait.ge [sflag:s19], $0x80  }
0x7e: {  	[sflag:s19] =	ssyncset.done $0x0  }
0x7f: {  	[sflag:s19] =	ssyncadd.s32 $0xFFFFFF80  }
0x80: {  	_ =	swait.ge [sflag:s0], $0x2000  }
0x81: {  	[sflag:s0] =	ssyncset.done $0x0  }
0x82: {  	[sflag:s0] =	ssyncadd.s32 $0xFFFFE000  }
0x83: {  	[spmem:s2] =	stream.indirect.scatter.add.f32 [tilespmem:s29], [sflag:$0x4], $0x40, s1, s26, $0xb8;
	[tilespmem:$0x108C8] =	vst v63  }
0x84: {  	_ = 	snop  }
0x85: {  	[spmem:s3] =	stream.indirect.scatter.add.f32 [tilespmem:s23], [sflag:$0x5], $0x1, s1, s26, $0xb8;
	[tilespmem:$0x108C8] =	vst v63  }
0x86: {  	_ =	swait.ge [sflag:s19], $0x80  }
0x87: {  	[sflag:s19] =	ssyncset.done $0x0  }
0x88: {  	[sflag:s19] =	ssyncadd.s32 $0xFFFFFF80  }
0x89: {  	_ =	swait.ge [sflag:s31], $0x2000  }
0x8a: {  	[sflag:s31] =	ssyncset.done $0x0  }
0x8b: {  	[sflag:s31] =	ssyncadd.s32 $0xFFFFE000  }
0x8c: {  	_ =	swait.ge [sflag:s18], $0x2000  }
0x8d: {  	[sflag:s18] =	ssyncset.done $0x0  }
0x8e: {  	s16 =	simm.s32 $0x1300;
	[sflag:s18] =	ssyncadd.s32 $0xFFFFE000  }
0x8f: {  	[tilespmem:s28], [sflag:$0x1] =	stream.indirect.gather [hbm4b:s5+s26], $0x40, s16, s26, $0xb8;
	[tilespmem:$0x108C8] =	vst v63  }
0x90: {  	s15 =	simm.s32 $0x1380  }
0x91: {  	[tilespmem:s29], [sflag:$0x2] =	stream.indirect.gather [hbm4b:s5+s7], $0x40, s15, s7, $0xb8;
	[tilespmem:$0x108C8] =	vst v63  }
0x92: {  	_ =	swait.ge [sflag:s30], $0x2000  }
0x93: {  	[sflag:s30] =	ssyncset.done $0x0  }
0x94: {  	[sflag:s30] =	ssyncadd.s32 $0xFFFFE000  }
0x95: {  	[spmem:s2] =	stream.indirect.scatter.add.f32 [tilespmem:s28], [sflag:$0x3], $0x40, s8, s26, $0xb8;
	[tilespmem:$0x108C8] =	vst v63  }
0x96: {  	_ = 	snop  }
0x97: {  	[spmem:s3] =	stream.indirect.scatter.add.f32 [tilespmem:s23], [sflag:$0x5], $0x1, s8, s26, $0xb8;
	[tilespmem:$0x108C8] =	vst v63  }
0x98: {  	_ =	swait.ge [sflag:s19], $0x80  }
0x99: {  	[sflag:s19] =	ssyncset.done $0x0  }
0x9a: {  	[sflag:s19] =	ssyncadd.s32 $0xFFFFFF80  }
0x9b: {  	_ =	swait.ge [sflag:s0], $0x200  }
0x9c: {  	[sflag:s0] =	ssyncset.done $0x0  }
0x9d: {  	[sflag:s0] =	ssyncadd.s32 $0xFFFFFE00  }
0x9e: {  	[spmem:s2] =	stream.indirect.scatter.add.f32 [tilespmem:s29], [sflag:$0x4], $0x40, s9, s7, $0xb8;
	[tilespmem:$0x108C8] =	vst v63  }
0x9f: {  	_ = 	snop  }
0xa0: {  	[spmem:s3] =	stream.indirect.scatter.add.f32 [tilespmem:s23], [sflag:$0x5], $0x1, s9, s7, $0xb8;
	[tilespmem:$0x108C8] =	vst v63  }
0xa1: {  	_ =	swait.ge [sflag:s19], $0x8  }
0xa2: {  	[sflag:s19] =	ssyncset.done $0x0  }
0xa3: {  	[sflag:s19] =	ssyncadd.s32 $0xFFFFFFF8  }
0xa4: {  	_ =	swait.ge [sflag:s31], $0x2000  }
0xa5: {  	[sflag:s31] =	ssyncset.done $0x0  }
0xa6: {  	[sflag:s31] =	ssyncadd.s32 $0xFFFFE000  }
0xa7: {  	_ =	swait.ge [sflag:s18], $0x200  }
0xa8: {  	[sflag:s18] =	ssyncset.done $0x0  }
0xa9: {  	[sflag:s18] =	ssyncadd.s32 $0xFFFFFE00  }
0xaa: {  	s13 =	sadd.s32 @p0 $0x12C00, s17;
	s15 =	simm.s32 @p0 $0x1FC5;
	[bflag:$0x0] =	sbarrier.arrive $0xFFFF  }
0xab: {  	[hbm:s13], [sflag:s15] =	dma.local @p0 [spmem:s14], $0xC80  }
0xac: {  	s13 =	simm.s32 @p0 $0x5  }
0xad: {  	_ =	swait.ge @p0 [sflag:s13], $0xC80  }
0xae: {  	[sflag:s13] =	ssyncset.done @p0 $0x0  }
0xaf: {  	s14 =	simm.s32 @p0 $0x6790;
	[sflag:s13] =	ssyncadd.s32 @p0 $0xFFFFF380  }
0xb0: {  	[tilespmem:s14], [sflag:$0x5] =	stream.linear.gather @p0 [spmem:s11], $0x190, $0x38;
	[tilespmem:$0x108C8] =	vst v63  }
0xb1: {  	_ =	swait.ge @p0 [sflag:s13], $0x190  }
0xb2: {  	[sflag:s13] =	ssyncset.done @p0 $0x0  }
0xb3: {  	s15 =	simm.s32 @p0 $0x0;
	s16 =	rddreg [dreg:$0xc];
	[sflag:s13] =	ssyncadd.s32 @p0 $0xFFFFFE70  }
0xb4: {  	[hbm4b:s16+s15] =	stream.linear.scatter @p0 [tilespmem:s14], [sflag:$0x5], $0x190, $0x38;
	[tilespmem:$0x108C8] =	vst v63  }
0xb5: {  	_ =	swait.ge @p0 [sflag:s13], $0x190  }
0xb6: {  	[sflag:s13] =	ssyncset.done @p0 $0x0  }
0xb7: {  	[sflag:s13] =	ssyncadd.s32 @p0 $0xFFFFFE70  }
0xb8: {  	[hbm:s24], [sflag:s12] =	dma.local @!p0 [spmem:s25], $0x1400  }
0xb9: {  	s12 =	simm.s32 @!p0 $0x5  }
0xba: {  	_ =	swait.ge @!p0 [sflag:s12], $0x1400  }
0xbb: {  	[sflag:s12] =	ssyncset.done @!p0 $0x0  }
0xbc: {  	s13 =	simm.s32 @!p0 $0x6790;
	s14 =	rddreg [dreg:$0xa];
	[sflag:s12] =	ssyncadd.s32 @!p0 $0xFFFFEC00  }
0xbd: {  	[tilespmem:s13], [sflag:$0x5] =	stream.linear.gather @!p0 [spmem:s14], $0x280, $0x38;
	[tilespmem:$0x108C8] =	vst v63  }
0xbe: {  	_ =	swait.ge @!p0 [sflag:s12], $0x280  }
0xbf: {  	[sflag:s12] =	ssyncset.done @!p0 $0x0  }
0xc0: {  	s14 =	simm.s32 @!p0 $0x0;
	s15 =	rddreg [dreg:$0xb];
	[sflag:s12] =	ssyncadd.s32 @!p0 $0xFFFFFD80  }
0xc1: {  	[hbm4b:s15+s14] =	stream.linear.scatter @!p0 [tilespmem:s13], [sflag:$0x5], $0x280, $0x38;
	[tilespmem:$0x108C8] =	vst v63  }
0xc2: {  	_ =	swait.ge @!p0 [sflag:s12], $0x280  }
0xc3: {  	s10 =	sadd.s32 $0x1, s10;
	s16 =	rddreg [dreg:$0xd]  }
0xc4: {  	p1 =	sne.s32 s10, s16  }
.Ltmp1:
0xc5: {  	_ = 	snop;
	(pc) =	sbr.rel @p1 .LBB2_1-.Ltmp1, $3  }
0xc6: {  	_ =	sdelay $0x1  }
0xc7: {  	[sflag:s12] =	ssyncset.done @!p0 $0x0  }
0xc8: {  	[sflag:s12] =	ssyncadd.s32 @!p0 $0xFFFFFD80  }
0xc9: {  	_ =	sfence.sel $0x180000  }
0xca: {  	[bflag:$0x0] =	sbarrier.arrive $0xFFFF  }
0xcb: {  	_ =	strace $0x90000047  }
0xcc: {  	s0 =	stileid.u32;
	[bflag:$0x2] =	sbarrier.arrive $0xFFFF  }
0xcd: {  	p0 =	sne.s32 s0, $0x0;
	s0 =	rddreg [dreg:$0x4]  }
0xce: {  	s0 =	sadd.s32 @!p0 $0x100000, s0  }
0xcf: {  	[sflag:s0] =	ssyncadd.tile.s32 @!p0 $0x1;
	_ =	shalt  }
.Lfunc_end2:
_tile_overlayer_lowered:
.L_overlay_start_2:
0xd0: {  	(tag) =	ssettag $0x2  }
0xd1: {  	s0 =	rddreg [dreg:$0x0];
	s2 =	stileid.u32  }
0xd2: {  	s1 =	rddreg [dreg:$0x1];
	p0 =	sne.s32 s2, $0x0  }
0xd3: {  	s3 =	rddreg [dreg:$0x2];
	[bflag:$0x3] =	sbarrier.arrive $0xFFFF;
	s2 =	simm.s32 @!p0 $0x1C05  }
0xd4: {  	[timem:s3], [sflag:s2] =	dma.local @!p0 [hbm:s0], s1  }
0xd5: {  	s0 =	simm.s32 @!p0 $0x5  }
0xd6: {  	_ =	swait.ge @!p0 [sflag:s0], s1  }
0xd7: {  	s1 =	ssub.s32 @!p0 $0x0, s1;
	[sflag:s0] =	ssyncset.done @!p0 $0x0  }
0xd8: {  	[sflag:s0] =	ssyncadd.s32 @!p0 s1  }
0xd9: {  	[bflag:$0x3] =	sbarrier.arrive $0xFFFF  }
0xda: {  	_ =	shalt  }

</sc_bundles>
